<compile_context>
chip_gen: v7x
topology: tpu7x:2x2x1
jax: 0.10.2.dev20260603
libtpu: 0.0.44.dev20260713+nightly
codegen_flags: <defaults>
</compile_context>

<pallas_src>
import functools

import jax
import jax.numpy as jnp
from jax import lax
from jax.experimental import pallas as pl
from jax.experimental.pallas import tpu as pltpu
from jax.experimental.pallas import tpu_sc as plsc

NBINS = 8
HIST = 3
TLEN = 2_000_000
NSAMP = TLEN - HIST - 1
NBIG = 2 ** 21
HALF = 2 ** 20

MMBLK = 2 ** 17
MMGRID = 16

KBLK = 2 ** 17
KGRID = NBIG // KBLK

KCH = 256
SCCH = 128
PER_TILE = NBIG // 16


def _minmax_body(src_ref, tgt_ref, out_ref, acc_ref):
    i = pl.program_id(0)
    rows = MMBLK // 128
    s = src_ref[...].reshape(rows, 128)
    t = tgt_ref[...].reshape(rows, 128)
    valid_rows = jnp.where(i == MMGRID - 1, (TLEN - (MMGRID - 1) * MMBLK) // 128, rows)
    rid = lax.broadcasted_iota(jnp.int32, (rows, 128), 0)
    ok = rid < valid_rows
    big = jnp.float32(3.4e38)
    smin = jnp.min(jnp.where(ok, s, big))
    smax = jnp.max(jnp.where(ok, s, -big))
    tmin = jnp.min(jnp.where(ok, t, big))
    tmax = jnp.max(jnp.where(ok, t, -big))

    @pl.when(i == 0)
    def _():
        acc_ref[0] = smin
        acc_ref[1] = smax
        acc_ref[2] = tmin
        acc_ref[3] = tmax

    @pl.when(i > 0)
    def _():
        acc_ref[0] = jnp.minimum(acc_ref[0], smin)
        acc_ref[1] = jnp.maximum(acc_ref[1], smax)
        acc_ref[2] = jnp.minimum(acc_ref[2], tmin)
        acc_ref[3] = jnp.maximum(acc_ref[3], tmax)

    @pl.when(i == MMGRID - 1)
    def _():
        out_ref[0] = acc_ref[0]
        out_ref[1] = acc_ref[1]
        out_ref[2] = acc_ref[2]
        out_ref[3] = acc_ref[3]


def _minmax(source, target):
    return pl.pallas_call(
        _minmax_body,
        grid=(MMGRID,),
        in_specs=[
            pl.BlockSpec((MMBLK,), lambda i: (i,)),
            pl.BlockSpec((MMBLK,), lambda i: (i,)),
        ],
        out_specs=pl.BlockSpec(memory_space=pltpu.SMEM),
        out_shape=jax.ShapeDtypeStruct((4,), jnp.float32),
        scratch_shapes=[pltpu.SMEM((4,), jnp.float32)],
    )(source, target)


def _keys_body(mm_ref, src_ref, srcn_ref, tgt_ref, tgtn_ref, keys_ref):
    smin, smax = mm_ref[0], mm_ref[1]
    tmin, tmax = mm_ref[2], mm_ref[3]

    def disc(win, mn, mx):
        norm = (win - mn) / (mx - mn + 1e-8)
        b = (norm * jnp.float32(NBINS - 1)).astype(jnp.int32)
        b = jnp.clip(b, 0, NBINS - 1)
        return jnp.where(mx - mn < 1e-8, jnp.zeros_like(b), b)

    xs = jnp.concatenate([src_ref[...], srcn_ref[pl.ds(0, 8)]])
    ts = jnp.concatenate([tgt_ref[...], tgtn_ref[pl.ds(0, 8)]])
    xd = disc(xs, smin, smax)
    td = disc(ts, tmin, tmax)

    t1 = td[1:1 + KBLK]
    t2 = td[2:2 + KBLK]
    t3 = td[3:3 + KBLK]
    t4 = td[4:4 + KBLK]
    s1 = xd[1:1 + KBLK]
    s2 = xd[2:2 + KBLK]
    s3 = xd[3:3 + KBLK]
    s4 = xd[4:4 + KBLK]
    yp = t3 + 8 * t2 + 64 * t1
    xp = s3 + 8 * s2 + 64 * s1
    keys_ref[0, 0, :] = (yp * 512 + xp) * 8 + t4
    keys_ref[1, 0, :] = (xp * 512 + yp) * 8 + s4


def _build_keys(mm, source, target):
    last = TLEN // KBLK
    return pl.pallas_call(
        _keys_body,
        grid=(KGRID,),
        in_specs=[
            pl.BlockSpec(memory_space=pltpu.SMEM),
            pl.BlockSpec((KBLK,), lambda i: (i,)),
            pl.BlockSpec((KBLK,), lambda i: (jnp.minimum(i + 1, last),)),
            pl.BlockSpec((KBLK,), lambda i: (i,)),
            pl.BlockSpec((KBLK,), lambda i: (jnp.minimum(i + 1, last),)),
        ],
        out_specs=pl.BlockSpec((2, 1, KBLK), lambda i: (0, 0, i)),
        out_shape=jax.ShapeDtypeStruct((2, 1, NBIG), jnp.int32),
    )(mm, source, source, target, target)


LIM = 504 * 512 * NBINS
ZB = 256


@functools.lru_cache(maxsize=1)
def _sc_hist_fn():
    mesh = plsc.VectorSubcoreMesh(core_axis_name="c", subcore_axis_name="s")
    return functools.partial(
        pl.kernel,
        mesh=mesh,
        out_type=jax.ShapeDtypeStruct((2, 1, NBIG), jnp.int32),
        scratch_types=[
            pltpu.VMEM_SHARED((LIM,), jnp.int32),
            pltpu.VMEM((ZB,), jnp.int32),
            pltpu.VMEM((2, KCH), jnp.int32),
            pltpu.VMEM((2 * KCH // SCCH, SCCH), jnp.int32),
            pltpu.VMEM((2 * KCH // SCCH, SCCH), jnp.int32),
            pltpu.SemaphoreType.DMA,
            pltpu.SemaphoreType.DMA,
        ],
    )(_sc_hist)


def _sc_hist(keys2, out_hbm, spm, zbuf, kbuf, ibuf, vbuf, ksem, ssem):
    cid = lax.axis_index("c")
    sid = lax.axis_index("s")
    nchunks = PER_TILE // KCH
    ngrp = KCH // SCCH
    tw = LIM // 16

    for j in range(ZB // 16):
        zbuf[pl.ds(j * 16, 16)] = jnp.zeros((16,), jnp.int32)

    def zero_body(j, _):
        pltpu.sync_copy(zbuf, spm.at[pl.ds(sid * tw + j * ZB, ZB)])
        return 0

    lax.fori_loop(0, tw // ZB, zero_body, 0)

    for j in range(2048 // ZB):
        pltpu.sync_copy(
            zbuf,
            out_hbm.at[cid, 0, pl.ds(LIM + sid * 2048 + j * ZB, ZB)])

    plsc.subcore_barrier()

    lanes = lax.broadcasted_iota(jnp.int32, (16,), 0)

    def load_chunk(ci, buf):
        cb = sid * PER_TILE + ci * KCH
        pltpu.async_copy(keys2.at[cid, 0, pl.ds(cb, KCH)], kbuf.at[buf], ksem)

    def wait_load(buf):
        pltpu.make_async_copy(
            keys2.at[cid, 0, pl.ds(0, KCH)], kbuf.at[buf], ksem).wait()

    def wait_scatter(row):
        pltpu.make_async_copy(vbuf.at[row], spm.at[ibuf.at[row]], ssem).wait()

    load_chunk(0, 0)

    def chunk_body(ci, _):
        buf = lax.rem(ci, 2)
        cb = sid * PER_TILE + ci * KCH
        wait_load(buf)

        @pl.when(ci < nchunks - 1)
        def _():
            load_chunk(ci + 1, 1 - buf)

        @pl.when(ci >= 2)
        def _():
            for gi in range(ngrp):
                wait_scatter(buf * ngrp + gi)

        for gi in range(ngrp):
            row = buf * ngrp + gi
            for u in range(SCCH // 16):
                off = gi * SCCH + u * 16
                kv = kbuf[buf, pl.ds(off, 16)]
                t = cb + off + lanes
                valid = (t < NSAMP) & (kv < LIM)
                ibuf[row, pl.ds(u * 16, 16)] = jnp.where(valid, kv, off + lanes)
                vbuf[row, pl.ds(u * 16, 16)] = jnp.where(valid, 1, 0)
            pltpu.async_copy(vbuf.at[row], spm.at[ibuf.at[row]], ssem, add=True)

        return 0

    lax.fori_loop(0, nchunks, chunk_body, 0)
    for row in range(2 * ngrp):
        wait_scatter(row)
    plsc.subcore_barrier()

    pltpu.sync_copy(spm.at[pl.ds(sid * tw, tw)],
                    out_hbm.at[cid, 0, pl.ds(sid * tw, tw)])


EROWS = 1024
EGRID = NBIG // (EROWS * 128)
YP_PER_BLK = EROWS * 128 // (512 * 8)


def _rollsum(x, shifts):
    for s in shifts:
        x = x + pltpu.roll(x, 128 - s, 1)
    return x


def _cond_entropy_rows(c2):
    r = c2.sum(axis=1)
    clog = jnp.where(c2 > 0, c2 * jnp.log2(jnp.where(c2 > 0, c2, 1.0)), 0.0)
    clog = clog.sum(axis=1)
    rs = jnp.where(r > 0, r, 1.0)
    hrow = jnp.log2(rs) - clog / rs
    return (r * hrow).sum() / jnp.float32(NSAMP)


def _entropy_body(hx_ref, hy_ref, oxy_ref, oyx_ref, onet_ref,
                  csx_ref, csy_ref, acc_ref):
    i = pl.program_id(0)

    @pl.when(i == 0)
    def _():
        acc_ref[0] = 0.0
        acc_ref[1] = 0.0

    lane = lax.broadcasted_iota(jnp.int32, (EROWS, 128), 1)
    base = (lane & 7) == 0

    def hterms(c, msk):
        clogc = jnp.where(c > 0, c * jnp.log2(jnp.where(c > 0, c, 1.0)), 0.0)
        rcyc = _rollsum(c, (4, 2, 1))
        clcyc = _rollsum(clogc, (4, 2, 1))
        rs = jnp.where(rcyc > 0, rcyc, 1.0)
        contrib = jnp.where(msk & (rcyc > 0),
                            rcyc * (jnp.log2(rs) - clcyc / rs), 0.0)
        return contrib.sum() / jnp.float32(NSAMP)

    def big(h_ref, cs_ref):
        c = h_ref[...].reshape(EROWS, 128).astype(jnp.float32)
        hpart = hterms(c, base)
        ycyc = _rollsum(c, (64, 32, 16, 8))
        m = ycyc.reshape(YP_PER_BLK, EROWS // YP_PER_BLK, 128).sum(axis=1)
        cs_ref[pl.ds(i * YP_PER_BLK, YP_PER_BLK), :] = m[:, 0:8]
        return hpart

    hx = big(hx_ref, csx_ref)
    hy = big(hy_ref, csy_ref)
    acc_ref[0] = acc_ref[0] + hx
    acc_ref[1] = acc_ref[1] + hy

    @pl.when(i == EGRID - 1)
    def _():
        h1x = _cond_entropy_rows(csx_ref[...])
        h1y = _cond_entropy_rows(csy_ref[...])
        te_xy = jnp.maximum(0.0, h1x - acc_ref[0])
        te_yx = jnp.maximum(0.0, h1y - acc_ref[1])
        oxy_ref[0] = te_xy
        oyx_ref[0] = te_yx
        onet_ref[0] = te_xy - te_yx


def _entropies(hist2):
    h = hist2.reshape(2, NBIG // 128, 128)
    return pl.pallas_call(
        _entropy_body,
        grid=(EGRID,),
        in_specs=[
            pl.BlockSpec((1, EROWS, 128), lambda i: (0, i, 0)),
            pl.BlockSpec((1, EROWS, 128), lambda i: (1, i, 0)),
        ],
        out_specs=[
            pl.BlockSpec(memory_space=pltpu.SMEM),
            pl.BlockSpec(memory_space=pltpu.SMEM),
            pl.BlockSpec(memory_space=pltpu.SMEM),
        ],
        out_shape=[
            jax.ShapeDtypeStruct((1,), jnp.float32),
            jax.ShapeDtypeStruct((1,), jnp.float32),
            jax.ShapeDtypeStruct((1,), jnp.float32),
        ],
        scratch_shapes=[
            pltpu.VMEM((512, 8), jnp.float32),
            pltpu.VMEM((512, 8), jnp.float32),
            pltpu.SMEM((2,), jnp.float32),
        ],
    )(h, h)


def kernel(source, target):
    mm = _minmax(source, target)
    keys2 = _build_keys(mm, source, target)
    hist2 = _sc_hist_fn()(keys2)
    te_xy, te_yx, net = _entropies(hist2)
    return (te_xy[0], te_yx[0], net[0])

# --- scband reference (transcript-rebuilt; emitter-appended) ---
"""Pipeline reference for scband-transfer-entropy-estimator-23270132810167 (READ-ONLY COPY).

The authoritative reference and input builder live on the scoring server;
editing this copy changes nothing except your own understanding.
"""

import jax, jax.numpy as jnp
import numpy as np

NUM_BINS = 8
HISTORY = 3
T_LEN = 2000000


def _discretize(x, num_bins):
    x_min = x.min()
    x_max = x.max()
    normalized = (x - x_min) / (x_max - x_min + 1e-08)
    binned = jnp.clip((normalized * (num_bins - 1)).astype(jnp.int32), 0, num_bins - 1)
    binned = jnp.where(x_max - x_min < 1e-08, jnp.zeros_like(binned), binned)
    return binned


def _cond_entropy(state_hash, y_future, num_states, K, n_samples):
    # joint counts over (state, y_future) via scatter-add (histogram)
    joint = jnp.zeros((num_states * K,), dtype=jnp.int32).at[state_hash * K + y_future].add(1)
    joint = joint.reshape(num_states, K)
    row_tot = joint.sum(axis=1)
    valid = row_tot >= 2  # original skips states with <2 samples
    safe_tot = jnp.where(valid, row_tot, 1).astype(jnp.float32)
    probs = joint.astype(jnp.float32) / safe_tot[:, None]
    plogp = jnp.where(probs > 0, probs * jnp.log2(jnp.where(probs > 0, probs, 1.0)), 0.0)
    h_rows = -plogp.sum(axis=1)
    weights = row_tot.astype(jnp.float32) / float(n_samples)
    return jnp.where(valid, weights * h_rows, 0.0).sum()


def compute_te(source, target, num_bins=NUM_BINS, k=HISTORY):
    T = source.shape[0]
    src_d = _discretize(source, num_bins)
    tgt_d = _discretize(target, num_bins)
    n_samples = T - k - 1
    K = num_bins
    y_future = tgt_d[k + 1:k + 1 + n_samples]
    powers = K ** jnp.arange(k, dtype=jnp.int32)
    y_past_slices = jnp.stack([tgt_d[k - i:k - i + n_samples] for i in range(k)])
    x_past_slices = jnp.stack([src_d[k - i:k - i + n_samples] for i in range(k)])
    y_past_hash = (powers[:, None] * y_past_slices).sum(axis=0)
    x_past_hash = (powers[:, None] * x_past_slices).sum(axis=0)
    num_past = K ** k
    h_y_given_ypast = _cond_entropy(y_past_hash, y_future, num_past, K, n_samples)
    combined = y_past_hash * num_past + x_past_hash
    h_y_given_both = _cond_entropy(combined, y_future, num_past * num_past, K, n_samples)
    return jnp.maximum(0.0, h_y_given_ypast - h_y_given_both)


def setup_inputs(seed: int = 0) -> dict:
    key = jax.random.key(seed)
    k1, k2 = jax.random.split(key)
    source = jax.random.normal(k1, (T_LEN,), dtype=jnp.float32)
    target = jax.random.normal(k2, (T_LEN,), dtype=jnp.float32)
    return {"source": source, "target": target}


def reference(source, target):
    te_xy = compute_te(source, target)
    te_yx = compute_te(target, source)
    net_flow = te_xy - te_yx
    return (te_xy, te_yx, net_flow)

if __name__ == "__main__":
    import jax
    _d = setup_inputs()
    print(jax.jit(kernel)(*tuple(_d.values())))

</pallas_src>

<mosaic_0001>
#map = affine_map<(d0, d1) -> (0, 0, 0)>
module attributes {stable_mosaic.version = 14 : i64} {
  func.func @_sc_hist(%arg0: i32, %arg1: i32, %arg2: memref<2x1x2097152xi32, #tpu.memory_space<hbm>>, %arg3: memref<2x1x2097152xi32, #tpu.memory_space<hbm>>, %arg4: memref<2064384xi32, #tpu.memory_space<vmem_shared>>, %arg5: memref<256xi32, #tpu.memory_space<vmem>>, %arg6: memref<2x256xi32, #tpu.memory_space<vmem>>, %arg7: memref<4x128xi32, #tpu.memory_space<vmem>>, %arg8: memref<4x128xi32, #tpu.memory_space<vmem>>, %arg9: memref<!tpu.dma_semaphore, #tpu.memory_space<semaphore_mem>>, %arg10: memref<!tpu.dma_semaphore, #tpu.memory_space<semaphore_mem>>) attributes {dimension_semantics = [#tpu.dimension_semantics<core_parallel>, #tpu.dimension_semantics<subcore_parallel>], iteration_bounds = array<i64: 2, 16>, scalar_prefetch = 0 : i64, scratch_operands = 7 : i64, tpu.core_type = #tpu.core_type<sc_vector_subcore>, window_params = [{transform_indices = #map}, {transform_indices = #map}]} {
    %broadcast_in_dim3A = arith.constant 0 : i32
    %broadcast_in_dim3A_0 = vector.broadcast %broadcast_in_dim3A : i32 to vector<16xi32>
    %swap3A = arith.constant 0 : index
    %swap3A_1 = tpu.vector_load %arg5[%swap3A] {strides = array<i32>} : memref<256xi32, #tpu.memory_space<vmem>>, vector<16xi32>,
    %swap3A_2 = vector.shape_cast %swap3A_1 : vector<16xi32> to vector<16xi32>
    %swap3A_3 = vector.shape_cast %broadcast_in_dim3A_0 : vector<16xi32> to vector<16xi32>
    tpu.vector_store %arg5[%swap3A], %swap3A_3 {strides = array<i32>} : memref<256xi32, #tpu.memory_space<vmem>>, vector<16xi32>,
    %broadcast_in_dim3A_4 = arith.constant 0 : i32
    %broadcast_in_dim3A_5 = vector.broadcast %broadcast_in_dim3A_4 : i32 to vector<16xi32>
    %swap3A_6 = arith.constant 16 : index
    %swap3A_7 = tpu.vector_load %arg5[%swap3A_6] {strides = array<i32>} : memref<256xi32, #tpu.memory_space<vmem>>, vector<16xi32>,
    %swap3A_8 = vector.shape_cast %swap3A_7 : vector<16xi32> to vector<16xi32>
    %swap3A_9 = vector.shape_cast %broadcast_in_dim3A_5 : vector<16xi32> to vector<16xi32>
    tpu.vector_store %arg5[%swap3A_6], %swap3A_9 {strides = array<i32>} : memref<256xi32, #tpu.memory_space<vmem>>, vector<16xi32>,
    %broadcast_in_dim3A_10 = arith.constant 0 : i32
    %broadcast_in_dim3A_11 = vector.broadcast %broadcast_in_dim3A_10 : i32 to vector<16xi32>
    %swap3A_12 = arith.constant 32 : index
    %swap3A_13 = tpu.vector_load %arg5[%swap3A_12] {strides = array<i32>} : memref<256xi32, #tpu.memory_space<vmem>>, vector<16xi32>,
    %swap3A_14 = vector.shape_cast %swap3A_13 : vector<16xi32> to vector<16xi32>
    %swap3A_15 = vector.shape_cast %broadcast_in_dim3A_11 : vector<16xi32> to vector<16xi32>
    tpu.vector_store %arg5[%swap3A_12], %swap3A_15 {strides = array<i32>} : memref<256xi32, #tpu.memory_space<vmem>>, vector<16xi32>,
    %broadcast_in_dim3A_16 = arith.constant 0 : i32
    %broadcast_in_dim3A_17 = vector.broadcast %broadcast_in_dim3A_16 : i32 to vector<16xi32>
    %swap3A_18 = arith.constant 48 : index
    %swap3A_19 = tpu.vector_load %arg5[%swap3A_18] {strides = array<i32>} : memref<256xi32, #tpu.memory_space<vmem>>, vector<16xi32>,
    %swap3A_20 = vector.shape_cast %swap3A_19 : vector<16xi32> to vector<16xi32>
    %swap3A_21 = vector.shape_cast %broadcast_in_dim3A_17 : vector<16xi32> to vector<16xi32>
    tpu.vector_store %arg5[%swap3A_18], %swap3A_21 {strides = array<i32>} : memref<256xi32, #tpu.memory_space<vmem>>, vector<16xi32>,
    %broadcast_in_dim3A_22 = arith.constant 0 : i32
    %broadcast_in_dim3A_23 = vector.broadcast %broadcast_in_dim3A_22 : i32 to vector<16xi32>
    %swap3A_24 = arith.constant 64 : index
    %swap3A_25 = tpu.vector_load %arg5[%swap3A_24] {strides = array<i32>} : memref<256xi32, #tpu.memory_space<vmem>>, vector<16xi32>,
    %swap3A_26 = vector.shape_cast %swap3A_25 : vector<16xi32> to vector<16xi32>
    %swap3A_27 = vector.shape_cast %broadcast_in_dim3A_23 : vector<16xi32> to vector<16xi32>
    tpu.vector_store %arg5[%swap3A_24], %swap3A_27 {strides = array<i32>} : memref<256xi32, #tpu.memory_space<vmem>>, vector<16xi32>,
    %broadcast_in_dim3A_28 = arith.constant 0 : i32
    %broadcast_in_dim3A_29 = vector.broadcast %broadcast_in_dim3A_28 : i32 to vector<16xi32>
    %swap3A_30 = arith.constant 80 : index
    %swap3A_31 = tpu.vector_load %arg5[%swap3A_30] {strides = array<i32>} : memref<256xi32, #tpu.memory_space<vmem>>, vector<16xi32>,
    %swap3A_32 = vector.shape_cast %swap3A_31 : vector<16xi32> to vector<16xi32>
    %swap3A_33 = vector.shape_cast %broadcast_in_dim3A_29 : vector<16xi32> to vector<16xi32>
    tpu.vector_store %arg5[%swap3A_30], %swap3A_33 {strides = array<i32>} : memref<256xi32, #tpu.memory_space<vmem>>, vector<16xi32>,
    %broadcast_in_dim3A_34 = arith.constant 0 : i32
    %broadcast_in_dim3A_35 = vector.broadcast %broadcast_in_dim3A_34 : i32 to vector<16xi32>
    %swap3A_36 = arith.constant 96 : index
    %swap3A_37 = tpu.vector_load %arg5[%swap3A_36] {strides = array<i32>} : memref<256xi32, #tpu.memory_space<vmem>>, vector<16xi32>,
    %swap3A_38 = vector.shape_cast %swap3A_37 : vector<16xi32> to vector<16xi32>
    %swap3A_39 = vector.shape_cast %broadcast_in_dim3A_35 : vector<16xi32> to vector<16xi32>
    tpu.vector_store %arg5[%swap3A_36], %swap3A_39 {strides = array<i32>} : memref<256xi32, #tpu.memory_space<vmem>>, vector<16xi32>,
    %broadcast_in_dim3A_40 = arith.constant 0 : i32
    %broadcast_in_dim3A_41 = vector.broadcast %broadcast_in_dim3A_40 : i32 to vector<16xi32>
    %swap3A_42 = arith.constant 112 : index
    %swap3A_43 = tpu.vector_load %arg5[%swap3A_42] {strides = array<i32>} : memref<256xi32, #tpu.memory_space<vmem>>, vector<16xi32>,
    %swap3A_44 = vector.shape_cast %swap3A_43 : vector<16xi32> to vector<16xi32>
    %swap3A_45 = vector.shape_cast %broadcast_in_dim3A_41 : vector<16xi32> to vector<16xi32>
    tpu.vector_store %arg5[%swap3A_42], %swap3A_45 {strides = array<i32>} : memref<256xi32, #tpu.memory_space<vmem>>, vector<16xi32>,
    %broadcast_in_dim3A_46 = arith.constant 0 : i32
    %broadcast_in_dim3A_47 = vector.broadcast %broadcast_in_dim3A_46 : i32 to vector<16xi32>
    %swap3A_48 = arith.constant 128 : index
    %swap3A_49 = tpu.vector_load %arg5[%swap3A_48] {strides = array<i32>} : memref<256xi32, #tpu.memory_space<vmem>>, vector<16xi32>,
    %swap3A_50 = vector.shape_cast %swap3A_49 : vector<16xi32> to vector<16xi32>
    %swap3A_51 = vector.shape_cast %broadcast_in_dim3A_47 : vector<16xi32> to vector<16xi32>
    tpu.vector_store %arg5[%swap3A_48], %swap3A_51 {strides = array<i32>} : memref<256xi32, #tpu.memory_space<vmem>>, vector<16xi32>,
    %broadcast_in_dim3A_52 = arith.constant 0 : i32
    %broadcast_in_dim3A_53 = vector.broadcast %broadcast_in_dim3A_52 : i32 to vector<16xi32>
    %swap3A_54 = arith.constant 144 : index
    %swap3A_55 = tpu.vector_load %arg5[%swap3A_54] {strides = array<i32>} : memref<256xi32, #tpu.memory_space<vmem>>, vector<16xi32>,
    %swap3A_56 = vector.shape_cast %swap3A_55 : vector<16xi32> to vector<16xi32>
    %swap3A_57 = vector.shape_cast %broadcast_in_dim3A_53 : vector<16xi32> to vector<16xi32>
    tpu.vector_store %arg5[%swap3A_54], %swap3A_57 {strides = array<i32>} : memref<256xi32, #tpu.memory_space<vmem>>, vector<16xi32>,
    %broadcast_in_dim3A_58 = arith.constant 0 : i32
    %broadcast_in_dim3A_59 = vector.broadcast %broadcast_in_dim3A_58 : i32 to vector<16xi32>
    %swap3A_60 = arith.constant 160 : index
    %swap3A_61 = tpu.vector_load %arg5[%swap3A_60] {strides = array<i32>} : memref<256xi32, #tpu.memory_space<vmem>>, vector<16xi32>,
    %swap3A_62 = vector.shape_cast %swap3A_61 : vector<16xi32> to vector<16xi32>
    %swap3A_63 = vector.shape_cast %broadcast_in_dim3A_59 : vector<16xi32> to vector<16xi32>
    tpu.vector_store %arg5[%swap3A_60], %swap3A_63 {strides = array<i32>} : memref<256xi32, #tpu.memory_space<vmem>>, vector<16xi32>,
    %broadcast_in_dim3A_64 = arith.constant 0 : i32
    %broadcast_in_dim3A_65 = vector.broadcast %broadcast_in_dim3A_64 : i32 to vector<16xi32>
    %swap3A_66 = arith.constant 176 : index
    %swap3A_67 = tpu.vector_load %arg5[%swap3A_66] {strides = array<i32>} : memref<256xi32, #tpu.memory_space<vmem>>, vector<16xi32>,
    %swap3A_68 = vector.shape_cast %swap3A_67 : vector<16xi32> to vector<16xi32>
    %swap3A_69 = vector.shape_cast %broadcast_in_dim3A_65 : vector<16xi32> to vector<16xi32>
    tpu.vector_store %arg5[%swap3A_66], %swap3A_69 {strides = array<i32>} : memref<256xi32, #tpu.memory_space<vmem>>, vector<16xi32>,
    %broadcast_in_dim3A_70 = arith.constant 0 : i32
    %broadcast_in_dim3A_71 = vector.broadcast %broadcast_in_dim3A_70 : i32 to vector<16xi32>
    %swap3A_72 = arith.constant 192 : index
    %swap3A_73 = tpu.vector_load %arg5[%swap3A_72] {strides = array<i32>} : memref<256xi32, #tpu.memory_space<vmem>>, vector<16xi32>,
    %swap3A_74 = vector.shape_cast %swap3A_73 : vector<16xi32> to vector<16xi32>
    %swap3A_75 = vector.shape_cast %broadcast_in_dim3A_71 : vector<16xi32> to vector<16xi32>
    tpu.vector_store %arg5[%swap3A_72], %swap3A_75 {strides = array<i32>} : memref<256xi32, #tpu.memory_space<vmem>>, vector<16xi32>,
    %broadcast_in_dim3A_76 = arith.constant 0 : i32
    %broadcast_in_dim3A_77 = vector.broadcast %broadcast_in_dim3A_76 : i32 to vector<16xi32>
    %swap3A_78 = arith.constant 208 : index
    %swap3A_79 = tpu.vector_load %arg5[%swap3A_78] {strides = array<i32>} : memref<256xi32, #tpu.memory_space<vmem>>, vector<16xi32>,
    %swap3A_80 = vector.shape_cast %swap3A_79 : vector<16xi32> to vector<16xi32>
    %swap3A_81 = vector.shape_cast %broadcast_in_dim3A_77 : vector<16xi32> to vector<16xi32>
    tpu.vector_store %arg5[%swap3A_78], %swap3A_81 {strides = array<i32>} : memref<256xi32, #tpu.memory_space<vmem>>, vector<16xi32>,
    %broadcast_in_dim3A_82 = arith.constant 0 : i32
    %broadcast_in_dim3A_83 = vector.broadcast %broadcast_in_dim3A_82 : i32 to vector<16xi32>
    %swap3A_84 = arith.constant 224 : index
    %swap3A_85 = tpu.vector_load %arg5[%swap3A_84] {strides = array<i32>} : memref<256xi32, #tpu.memory_space<vmem>>, vector<16xi32>,
    %swap3A_86 = vector.shape_cast %swap3A_85 : vector<16xi32> to vector<16xi32>
    %swap3A_87 = vector.shape_cast %broadcast_in_dim3A_83 : vector<16xi32> to vector<16xi32>
    tpu.vector_store %arg5[%swap3A_84], %swap3A_87 {strides = array<i32>} : memref<256xi32, #tpu.memory_space<vmem>>, vector<16xi32>,
    %broadcast_in_dim3A_88 = arith.constant 0 : i32
    %broadcast_in_dim3A_89 = vector.broadcast %broadcast_in_dim3A_88 : i32 to vector<16xi32>
    %swap3A_90 = arith.constant 240 : index
    %swap3A_91 = tpu.vector_load %arg5[%swap3A_90] {strides = array<i32>} : memref<256xi32, #tpu.memory_space<vmem>>, vector<16xi32>,
    %swap3A_92 = vector.shape_cast %swap3A_91 : vector<16xi32> to vector<16xi32>
    %swap3A_93 = vector.shape_cast %broadcast_in_dim3A_89 : vector<16xi32> to vector<16xi32>
    tpu.vector_store %arg5[%swap3A_90], %swap3A_93 {strides = array<i32>} : memref<256xi32, #tpu.memory_space<vmem>>, vector<16xi32>,
    %scan3A = arith.constant 0 : i32
    %scan3A_94 = arith.constant 0 : i32
    %scan3A_95 = arith.constant 504 : i32
    %scan3A_96 = arith.addi %scan3A_94, %scan3A_95 : i32
    %scan3A_97 = arith.constant 1 : i32
    %scan3A_98 = scf.for %scan3A_220 = %scan3A_94 to %scan3A_96 step %scan3A_97 iter_args(%scan3A_221 = %scan3A) -> (i32)  : i32 {
      %mul3A_222 = arith.constant 129024 : i32
      %mul3A_223 = arith.muli %arg1, %mul3A_222 : i32
      %mul3A_224 = arith.constant 256 : i32
      %mul3A_225 = arith.muli %scan3A_220, %mul3A_224 : i32
      %add3A_226 = arith.addi %mul3A_223, %mul3A_225 : i32
      "tpu.region"() ({
        %run_scoped3A_228 = tpu.sem_alloc : memref<!tpu.dma_semaphore, #tpu.memory_space<semaphore_mem>>
        %dma_start3A_229 = tpu.memref_slice %arg4[%add3A_226] : memref<2064384xi32, #tpu.memory_space<vmem_shared>> -> memref<256xi32, #tpu.memory_space<vmem_shared>>
        %dma_start3A_230 = tpu.memref_slice %arg4[%add3A_226] : memref<2064384xi32, #tpu.memory_space<vmem_shared>> -> memref<256xi32, #tpu.memory_space<vmem_shared>>
        tpu.enqueue_dma source(%arg5 : memref<256xi32, #tpu.memory_space<vmem>>) target(%dma_start3A_230 : memref<256xi32, #tpu.memory_space<vmem_shared>>) target_semaphore(%run_scoped3A_228 : memref<!tpu.dma_semaphore, #tpu.memory_space<semaphore_mem>>)
        %dma_wait3A_231 = tpu.memref_slice %arg4[%add3A_226] : memref<2064384xi32, #tpu.memory_space<vmem_shared>> -> memref<256xi32, #tpu.memory_space<vmem_shared>>
        %dma_wait3A_232 = tpu.memref_slice %arg4[%add3A_226] : memref<2064384xi32, #tpu.memory_space<vmem_shared>> -> memref<256xi32, #tpu.memory_space<vmem_shared>>
        tpu.wait_dma2 semaphore(%run_scoped3A_228 : memref<!tpu.dma_semaphore, #tpu.memory_space<semaphore_mem>>) src(%arg5 : memref<256xi32, #tpu.memory_space<vmem>>) dst(%dma_wait3A_232 : memref<256xi32, #tpu.memory_space<vmem_shared>>)
        tpu.yield
      }) : () -> ()
      %scan3A_227 = arith.constant 0 : i32
      scf.yield %scan3A_227 : i32
    }
    %scan3A_99 = arith.constant 504 : i32
    %mul3A = arith.constant 2048 : i32
    %mul3A_100 = arith.muli %arg1, %mul3A : i32
    %add3A = arith.constant 2064384 : i32
    %add3A_101 = arith.addi %add3A, %mul3A_100 : i32
    %add3A_102 = arith.constant 0 : i32
    %add3A_103 = arith.addi %add3A_101, %add3A_102 : i32
    %run_scoped3A = arith.constant 0 : i32
    "tpu.region"() ({
      %run_scoped3A_220 = tpu.sem_alloc : memref<!tpu.dma_semaphore, #tpu.memory_space<semaphore_mem>>
      %dma_start3A_221 = tpu.memref_slice %arg3[%arg0, %run_scoped3A, %add3A_103] : memref<2x1x2097152xi32, #tpu.memory_space<hbm>> -> memref<1x1x256xi32, #tpu.memory_space<hbm>>
      %dma_start3A_222 = tpu.memref_squeeze %dma_start3A_221 : memref<1x1x256xi32, #tpu.memory_space<hbm>> -> memref<256xi32, #tpu.memory_space<hbm>>
      %dma_start3A_223 = tpu.memref_slice %arg3[%arg0, %run_scoped3A, %add3A_103] : memref<2x1x2097152xi32, #tpu.memory_space<hbm>> -> memref<1x1x256xi32, #tpu.memory_space<hbm>>
      %dma_start3A_224 = tpu.memref_squeeze %dma_start3A_223 : memref<1x1x256xi32, #tpu.memory_space<hbm>> -> memref<256xi32, #tpu.memory_space<hbm>>
      tpu.enqueue_dma source(%arg5 : memref<256xi32, #tpu.memory_space<vmem>>) target(%dma_start3A_224 : memref<256xi32, #tpu.memory_space<hbm>>) target_semaphore(%run_scoped3A_220 : memref<!tpu.dma_semaphore, #tpu.memory_space<semaphore_mem>>)
      %dma_wait3A_225 = tpu.memref_slice %arg3[%arg0, %run_scoped3A, %add3A_103] : memref<2x1x2097152xi32, #tpu.memory_space<hbm>> -> memref<1x1x256xi32, #tpu.memory_space<hbm>>
      %dma_wait3A_226 = tpu.memref_squeeze %dma_wait3A_225 : memref<1x1x256xi32, #tpu.memory_space<hbm>> -> memref<256xi32, #tpu.memory_space<hbm>>
      %dma_wait3A_227 = tpu.memref_slice %arg3[%arg0, %run_scoped3A, %add3A_103] : memref<2x1x2097152xi32, #tpu.memory_space<hbm>> -> memref<1x1x256xi32, #tpu.memory_space<hbm>>
      %dma_wait3A_228 = tpu.memref_squeeze %dma_wait3A_227 : memref<1x1x256xi32, #tpu.memory_space<hbm>> -> memref<256xi32, #tpu.memory_space<hbm>>
      tpu.wait_dma2 semaphore(%run_scoped3A_220 : memref<!tpu.dma_semaphore, #tpu.memory_space<semaphore_mem>>) src(%arg5 : memref<256xi32, #tpu.memory_space<vmem>>) dst(%dma_wait3A_228 : memref<256xi32, #tpu.memory_space<hbm>>)
      tpu.yield
    }) : () -> ()
    %mul3A_104 = arith.constant 2048 : i32
    %mul3A_105 = arith.muli %arg1, %mul3A_104 : i32
    %add3A_106 = arith.constant 2064384 : i32
    %add3A_107 = arith.addi %add3A_106, %mul3A_105 : i32
    %add3A_108 = arith.constant 256 : i32
    %add3A_109 = arith.addi %add3A_107, %add3A_108 : i32
    %run_scoped3A_110 = arith.constant 0 : i32
    "tpu.region"() ({
      %run_scoped3A_220 = tpu.sem_alloc : memref<!tpu.dma_semaphore, #tpu.memory_space<semaphore_mem>>
      %dma_start3A_221 = tpu.memref_slice %arg3[%arg0, %run_scoped3A_110, %add3A_109] : memref<2x1x2097152xi32, #tpu.memory_space<hbm>> -> memref<1x1x256xi32, #tpu.memory_space<hbm>>
      %dma_start3A_222 = tpu.memref_squeeze %dma_start3A_221 : memref<1x1x256xi32, #tpu.memory_space<hbm>> -> memref<256xi32, #tpu.memory_space<hbm>>
      %dma_start3A_223 = tpu.memref_slice %arg3[%arg0, %run_scoped3A_110, %add3A_109] : memref<2x1x2097152xi32, #tpu.memory_space<hbm>> -> memref<1x1x256xi32, #tpu.memory_space<hbm>>
      %dma_start3A_224 = tpu.memref_squeeze %dma_start3A_223 : memref<1x1x256xi32, #tpu.memory_space<hbm>> -> memref<256xi32, #tpu.memory_space<hbm>>
      tpu.enqueue_dma source(%arg5 : memref<256xi32, #tpu.memory_space<vmem>>) target(%dma_start3A_224 : memref<256xi32, #tpu.memory_space<hbm>>) target_semaphore(%run_scoped3A_220 : memref<!tpu.dma_semaphore, #tpu.memory_space<semaphore_mem>>)
      %dma_wait3A_225 = tpu.memref_slice %arg3[%arg0, %run_scoped3A_110, %add3A_109] : memref<2x1x2097152xi32, #tpu.memory_space<hbm>> -> memref<1x1x256xi32, #tpu.memory_space<hbm>>
      %dma_wait3A_226 = tpu.memref_squeeze %dma_wait3A_225 : memref<1x1x256xi32, #tpu.memory_space<hbm>> -> memref<256xi32, #tpu.memory_space<hbm>>
      %dma_wait3A_227 = tpu.memref_slice %arg3[%arg0, %run_scoped3A_110, %add3A_109] : memref<2x1x2097152xi32, #tpu.memory_space<hbm>> -> memref<1x1x256xi32, #tpu.memory_space<hbm>>
      %dma_wait3A_228 = tpu.memref_squeeze %dma_wait3A_227 : memref<1x1x256xi32, #tpu.memory_space<hbm>> -> memref<256xi32, #tpu.memory_space<hbm>>
      tpu.wait_dma2 semaphore(%run_scoped3A_220 : memref<!tpu.dma_semaphore, #tpu.memory_space<semaphore_mem>>) src(%arg5 : memref<256xi32, #tpu.memory_space<vmem>>) dst(%dma_wait3A_228 : memref<256xi32, #tpu.memory_space<hbm>>)
      tpu.yield
    }) : () -> ()
    %mul3A_111 = arith.constant 2048 : i32
    %mul3A_112 = arith.muli %arg1, %mul3A_111 : i32
    %add3A_113 = arith.constant 2064384 : i32
    %add3A_114 = arith.addi %add3A_113, %mul3A_112 : i32
    %add3A_115 = arith.constant 512 : i32
    %add3A_116 = arith.addi %add3A_114, %add3A_115 : i32
    %run_scoped3A_117 = arith.constant 0 : i32
    "tpu.region"() ({
      %run_scoped3A_220 = tpu.sem_alloc : memref<!tpu.dma_semaphore, #tpu.memory_space<semaphore_mem>>
      %dma_start3A_221 = tpu.memref_slice %arg3[%arg0, %run_scoped3A_117, %add3A_116] : memref<2x1x2097152xi32, #tpu.memory_space<hbm>> -> memref<1x1x256xi32, #tpu.memory_space<hbm>>
      %dma_start3A_222 = tpu.memref_squeeze %dma_start3A_221 : memref<1x1x256xi32, #tpu.memory_space<hbm>> -> memref<256xi32, #tpu.memory_space<hbm>>
      %dma_start3A_223 = tpu.memref_slice %arg3[%arg0, %run_scoped3A_117, %add3A_116] : memref<2x1x2097152xi32, #tpu.memory_space<hbm>> -> memref<1x1x256xi32, #tpu.memory_space<hbm>>
      %dma_start3A_224 = tpu.memref_squeeze %dma_start3A_223 : memref<1x1x256xi32, #tpu.memory_space<hbm>> -> memref<256xi32, #tpu.memory_space<hbm>>
      tpu.enqueue_dma source(%arg5 : memref<256xi32, #tpu.memory_space<vmem>>) target(%dma_start3A_224 : memref<256xi32, #tpu.memory_space<hbm>>) target_semaphore(%run_scoped3A_220 : memref<!tpu.dma_semaphore, #tpu.memory_space<semaphore_mem>>)
      %dma_wait3A_225 = tpu.memref_slice %arg3[%arg0, %run_scoped3A_117, %add3A_116] : memref<2x1x2097152xi32, #tpu.memory_space<hbm>> -> memref<1x1x256xi32, #tpu.memory_space<hbm>>
      %dma_wait3A_226 = tpu.memref_squeeze %dma_wait3A_225 : memref<1x1x256xi32, #tpu.memory_space<hbm>> -> memref<256xi32, #tpu.memory_space<hbm>>
      %dma_wait3A_227 = tpu.memref_slice %arg3[%arg0, %run_scoped3A_117, %add3A_116] : memref<2x1x2097152xi32, #tpu.memory_space<hbm>> -> memref<1x1x256xi32, #tpu.memory_space<hbm>>
      %dma_wait3A_228 = tpu.memref_squeeze %dma_wait3A_227 : memref<1x1x256xi32, #tpu.memory_space<hbm>> -> memref<256xi32, #tpu.memory_space<hbm>>
      tpu.wait_dma2 semaphore(%run_scoped3A_220 : memref<!tpu.dma_semaphore, #tpu.memory_space<semaphore_mem>>) src(%arg5 : memref<256xi32, #tpu.memory_space<vmem>>) dst(%dma_wait3A_228 : memref<256xi32, #tpu.memory_space<hbm>>)
      tpu.yield
    }) : () -> ()
    %mul3A_118 = arith.constant 2048 : i32
    %mul3A_119 = arith.muli %arg1, %mul3A_118 : i32
    %add3A_120 = arith.constant 2064384 : i32
    %add3A_121 = arith.addi %add3A_120, %mul3A_119 : i32
    %add3A_122 = arith.constant 768 : i32
    %add3A_123 = arith.addi %add3A_121, %add3A_122 : i32
    %run_scoped3A_124 = arith.constant 0 : i32
    "tpu.region"() ({
      %run_scoped3A_220 = tpu.sem_alloc : memref<!tpu.dma_semaphore, #tpu.memory_space<semaphore_mem>>
      %dma_start3A_221 = tpu.memref_slice %arg3[%arg0, %run_scoped3A_124, %add3A_123] : memref<2x1x2097152xi32, #tpu.memory_space<hbm>> -> memref<1x1x256xi32, #tpu.memory_space<hbm>>
      %dma_start3A_222 = tpu.memref_squeeze %dma_start3A_221 : memref<1x1x256xi32, #tpu.memory_space<hbm>> -> memref<256xi32, #tpu.memory_space<hbm>>
      %dma_start3A_223 = tpu.memref_slice %arg3[%arg0, %run_scoped3A_124, %add3A_123] : memref<2x1x2097152xi32, #tpu.memory_space<hbm>> -> memref<1x1x256xi32, #tpu.memory_space<hbm>>
      %dma_start3A_224 = tpu.memref_squeeze %dma_start3A_223 : memref<1x1x256xi32, #tpu.memory_space<hbm>> -> memref<256xi32, #tpu.memory_space<hbm>>
      tpu.enqueue_dma source(%arg5 : memref<256xi32, #tpu.memory_space<vmem>>) target(%dma_start3A_224 : memref<256xi32, #tpu.memory_space<hbm>>) target_semaphore(%run_scoped3A_220 : memref<!tpu.dma_semaphore, #tpu.memory_space<semaphore_mem>>)
      %dma_wait3A_225 = tpu.memref_slice %arg3[%arg0, %run_scoped3A_124, %add3A_123] : memref<2x1x2097152xi32, #tpu.memory_space<hbm>> -> memref<1x1x256xi32, #tpu.memory_space<hbm>>
      %dma_wait3A_226 = tpu.memref_squeeze %dma_wait3A_225 : memref<1x1x256xi32, #tpu.memory_space<hbm>> -> memref<256xi32, #tpu.memory_space<hbm>>
      %dma_wait3A_227 = tpu.memref_slice %arg3[%arg0, %run_scoped3A_124, %add3A_123] : memref<2x1x2097152xi32, #tpu.memory_space<hbm>> -> memref<1x1x256xi32, #tpu.memory_space<hbm>>
      %dma_wait3A_228 = tpu.memref_squeeze %dma_wait3A_227 : memref<1x1x256xi32, #tpu.memory_space<hbm>> -> memref<256xi32, #tpu.memory_space<hbm>>
      tpu.wait_dma2 semaphore(%run_scoped3A_220 : memref<!tpu.dma_semaphore, #tpu.memory_space<semaphore_mem>>) src(%arg5 : memref<256xi32, #tpu.memory_space<vmem>>) dst(%dma_wait3A_228 : memref<256xi32, #tpu.memory_space<hbm>>)
      tpu.yield
    }) : () -> ()
    %mul3A_125 = arith.constant 2048 : i32
    %mul3A_126 = arith.muli %arg1, %mul3A_125 : i32
    %add3A_127 = arith.constant 2064384 : i32
    %add3A_128 = arith.addi %add3A_127, %mul3A_126 : i32
    %add3A_129 = arith.constant 1024 : i32
    %add3A_130 = arith.addi %add3A_128, %add3A_129 : i32
    %run_scoped3A_131 = arith.constant 0 : i32
    "tpu.region"() ({
      %run_scoped3A_220 = tpu.sem_alloc : memref<!tpu.dma_semaphore, #tpu.memory_space<semaphore_mem>>
      %dma_start3A_221 = tpu.memref_slice %arg3[%arg0, %run_scoped3A_131, %add3A_130] : memref<2x1x2097152xi32, #tpu.memory_space<hbm>> -> memref<1x1x256xi32, #tpu.memory_space<hbm>>
      %dma_start3A_222 = tpu.memref_squeeze %dma_start3A_221 : memref<1x1x256xi32, #tpu.memory_space<hbm>> -> memref<256xi32, #tpu.memory_space<hbm>>
      %dma_start3A_223 = tpu.memref_slice %arg3[%arg0, %run_scoped3A_131, %add3A_130] : memref<2x1x2097152xi32, #tpu.memory_space<hbm>> -> memref<1x1x256xi32, #tpu.memory_space<hbm>>
      %dma_start3A_224 = tpu.memref_squeeze %dma_start3A_223 : memref<1x1x256xi32, #tpu.memory_space<hbm>> -> memref<256xi32, #tpu.memory_space<hbm>>
      tpu.enqueue_dma source(%arg5 : memref<256xi32, #tpu.memory_space<vmem>>) target(%dma_start3A_224 : memref<256xi32, #tpu.memory_space<hbm>>) target_semaphore(%run_scoped3A_220 : memref<!tpu.dma_semaphore, #tpu.memory_space<semaphore_mem>>)
      %dma_wait3A_225 = tpu.memref_slice %arg3[%arg0, %run_scoped3A_131, %add3A_130] : memref<2x1x2097152xi32, #tpu.memory_space<hbm>> -> memref<1x1x256xi32, #tpu.memory_space<hbm>>
      %dma_wait3A_226 = tpu.memref_squeeze %dma_wait3A_225 : memref<1x1x256xi32, #tpu.memory_space<hbm>> -> memref<256xi32, #tpu.memory_space<hbm>>
      %dma_wait3A_227 = tpu.memref_slice %arg3[%arg0, %run_scoped3A_131, %add3A_130] : memref<2x1x2097152xi32, #tpu.memory_space<hbm>> -> memref<1x1x256xi32, #tpu.memory_space<hbm>>
      %dma_wait3A_228 = tpu.memref_squeeze %dma_wait3A_227 : memref<1x1x256xi32, #tpu.memory_space<hbm>> -> memref<256xi32, #tpu.memory_space<hbm>>
      tpu.wait_dma2 semaphore(%run_scoped3A_220 : memref<!tpu.dma_semaphore, #tpu.memory_space<semaphore_mem>>) src(%arg5 : memref<256xi32, #tpu.memory_space<vmem>>) dst(%dma_wait3A_228 : memref<256xi32, #tpu.memory_space<hbm>>)
      tpu.yield
    }) : () -> ()
    %mul3A_132 = arith.constant 2048 : i32
    %mul3A_133 = arith.muli %arg1, %mul3A_132 : i32
    %add3A_134 = arith.constant 2064384 : i32
    %add3A_135 = arith.addi %add3A_134, %mul3A_133 : i32
    %add3A_136 = arith.constant 1280 : i32
    %add3A_137 = arith.addi %add3A_135, %add3A_136 : i32
    %run_scoped3A_138 = arith.constant 0 : i32
    "tpu.region"() ({
      %run_scoped3A_220 = tpu.sem_alloc : memref<!tpu.dma_semaphore, #tpu.memory_space<semaphore_mem>>
      %dma_start3A_221 = tpu.memref_slice %arg3[%arg0, %run_scoped3A_138, %add3A_137] : memref<2x1x2097152xi32, #tpu.memory_space<hbm>> -> memref<1x1x256xi32, #tpu.memory_space<hbm>>
      %dma_start3A_222 = tpu.memref_squeeze %dma_start3A_221 : memref<1x1x256xi32, #tpu.memory_space<hbm>> -> memref<256xi32, #tpu.memory_space<hbm>>
      %dma_start3A_223 = tpu.memref_slice %arg3[%arg0, %run_scoped3A_138, %add3A_137] : memref<2x1x2097152xi32, #tpu.memory_space<hbm>> -> memref<1x1x256xi32, #tpu.memory_space<hbm>>
      %dma_start3A_224 = tpu.memref_squeeze %dma_start3A_223 : memref<1x1x256xi32, #tpu.memory_space<hbm>> -> memref<256xi32, #tpu.memory_space<hbm>>
      tpu.enqueue_dma source(%arg5 : memref<256xi32, #tpu.memory_space<vmem>>) target(%dma_start3A_224 : memref<256xi32, #tpu.memory_space<hbm>>) target_semaphore(%run_scoped3A_220 : memref<!tpu.dma_semaphore, #tpu.memory_space<semaphore_mem>>)
      %dma_wait3A_225 = tpu.memref_slice %arg3[%arg0, %run_scoped3A_138, %add3A_137] : memref<2x1x2097152xi32, #tpu.memory_space<hbm>> -> memref<1x1x256xi32, #tpu.memory_space<hbm>>
      %dma_wait3A_226 = tpu.memref_squeeze %dma_wait3A_225 : memref<1x1x256xi32, #tpu.memory_space<hbm>> -> memref<256xi32, #tpu.memory_space<hbm>>
      %dma_wait3A_227 = tpu.memref_slice %arg3[%arg0, %run_scoped3A_138, %add3A_137] : memref<2x1x2097152xi32, #tpu.memory_space<hbm>> -> memref<1x1x256xi32, #tpu.memory_space<hbm>>
      %dma_wait3A_228 = tpu.memref_squeeze %dma_wait3A_227 : memref<1x1x256xi32, #tpu.memory_space<hbm>> -> memref<256xi32, #tpu.memory_space<hbm>>
      tpu.wait_dma2 semaphore(%run_scoped3A_220 : memref<!tpu.dma_semaphore, #tpu.memory_space<semaphore_mem>>) src(%arg5 : memref<256xi32, #tpu.memory_space<vmem>>) dst(%dma_wait3A_228 : memref<256xi32, #tpu.memory_space<hbm>>)
      tpu.yield
    }) : () -> ()
    %mul3A_139 = arith.constant 2048 : i32
    %mul3A_140 = arith.muli %arg1, %mul3A_139 : i32
    %add3A_141 = arith.constant 2064384 : i32
    %add3A_142 = arith.addi %add3A_141, %mul3A_140 : i32
    %add3A_143 = arith.constant 1536 : i32
    %add3A_144 = arith.addi %add3A_142, %add3A_143 : i32
    %run_scoped3A_145 = arith.constant 0 : i32
    "tpu.region"() ({
      %run_scoped3A_220 = tpu.sem_alloc : memref<!tpu.dma_semaphore, #tpu.memory_space<semaphore_mem>>
      %dma_start3A_221 = tpu.memref_slice %arg3[%arg0, %run_scoped3A_145, %add3A_144] : memref<2x1x2097152xi32, #tpu.memory_space<hbm>> -> memref<1x1x256xi32, #tpu.memory_space<hbm>>
      %dma_start3A_222 = tpu.memref_squeeze %dma_start3A_221 : memref<1x1x256xi32, #tpu.memory_space<hbm>> -> memref<256xi32, #tpu.memory_space<hbm>>
      %dma_start3A_223 = tpu.memref_slice %arg3[%arg0, %run_scoped3A_145, %add3A_144] : memref<2x1x2097152xi32, #tpu.memory_space<hbm>> -> memref<1x1x256xi32, #tpu.memory_space<hbm>>
      %dma_start3A_224 = tpu.memref_squeeze %dma_start3A_223 : memref<1x1x256xi32, #tpu.memory_space<hbm>> -> memref<256xi32, #tpu.memory_space<hbm>>
      tpu.enqueue_dma source(%arg5 : memref<256xi32, #tpu.memory_space<vmem>>) target(%dma_start3A_224 : memref<256xi32, #tpu.memory_space<hbm>>) target_semaphore(%run_scoped3A_220 : memref<!tpu.dma_semaphore, #tpu.memory_space<semaphore_mem>>)
      %dma_wait3A_225 = tpu.memref_slice %arg3[%arg0, %run_scoped3A_145, %add3A_144] : memref<2x1x2097152xi32, #tpu.memory_space<hbm>> -> memref<1x1x256xi32, #tpu.memory_space<hbm>>
      %dma_wait3A_226 = tpu.memref_squeeze %dma_wait3A_225 : memref<1x1x256xi32, #tpu.memory_space<hbm>> -> memref<256xi32, #tpu.memory_space<hbm>>
      %dma_wait3A_227 = tpu.memref_slice %arg3[%arg0, %run_scoped3A_145, %add3A_144] : memref<2x1x2097152xi32, #tpu.memory_space<hbm>> -> memref<1x1x256xi32, #tpu.memory_space<hbm>>
      %dma_wait3A_228 = tpu.memref_squeeze %dma_wait3A_227 : memref<1x1x256xi32, #tpu.memory_space<hbm>> -> memref<256xi32, #tpu.memory_space<hbm>>
      tpu.wait_dma2 semaphore(%run_scoped3A_220 : memref<!tpu.dma_semaphore, #tpu.memory_space<semaphore_mem>>) src(%arg5 : memref<256xi32, #tpu.memory_space<vmem>>) dst(%dma_wait3A_228 : memref<256xi32, #tpu.memory_space<hbm>>)
      tpu.yield
    }) : () -> ()
    %mul3A_146 = arith.constant 2048 : i32
    %mul3A_147 = arith.muli %arg1, %mul3A_146 : i32
    %add3A_148 = arith.constant 2064384 : i32
    %add3A_149 = arith.addi %add3A_148, %mul3A_147 : i32
    %add3A_150 = arith.constant 1792 : i32
    %add3A_151 = arith.addi %add3A_149, %add3A_150 : i32
    %run_scoped3A_152 = arith.constant 0 : i32
    "tpu.region"() ({
      %run_scoped3A_220 = tpu.sem_alloc : memref<!tpu.dma_semaphore, #tpu.memory_space<semaphore_mem>>
      %dma_start3A_221 = tpu.memref_slice %arg3[%arg0, %run_scoped3A_152, %add3A_151] : memref<2x1x2097152xi32, #tpu.memory_space<hbm>> -> memref<1x1x256xi32, #tpu.memory_space<hbm>>
      %dma_start3A_222 = tpu.memref_squeeze %dma_start3A_221 : memref<1x1x256xi32, #tpu.memory_space<hbm>> -> memref<256xi32, #tpu.memory_space<hbm>>
      %dma_start3A_223 = tpu.memref_slice %arg3[%arg0, %run_scoped3A_152, %add3A_151] : memref<2x1x2097152xi32, #tpu.memory_space<hbm>> -> memref<1x1x256xi32, #tpu.memory_space<hbm>>
      %dma_start3A_224 = tpu.memref_squeeze %dma_start3A_223 : memref<1x1x256xi32, #tpu.memory_space<hbm>> -> memref<256xi32, #tpu.memory_space<hbm>>
      tpu.enqueue_dma source(%arg5 : memref<256xi32, #tpu.memory_space<vmem>>) target(%dma_start3A_224 : memref<256xi32, #tpu.memory_space<hbm>>) target_semaphore(%run_scoped3A_220 : memref<!tpu.dma_semaphore, #tpu.memory_space<semaphore_mem>>)
      %dma_wait3A_225 = tpu.memref_slice %arg3[%arg0, %run_scoped3A_152, %add3A_151] : memref<2x1x2097152xi32, #tpu.memory_space<hbm>> -> memref<1x1x256xi32, #tpu.memory_space<hbm>>
      %dma_wait3A_226 = tpu.memref_squeeze %dma_wait3A_225 : memref<1x1x256xi32, #tpu.memory_space<hbm>> -> memref<256xi32, #tpu.memory_space<hbm>>
      %dma_wait3A_227 = tpu.memref_slice %arg3[%arg0, %run_scoped3A_152, %add3A_151] : memref<2x1x2097152xi32, #tpu.memory_space<hbm>> -> memref<1x1x256xi32, #tpu.memory_space<hbm>>
      %dma_wait3A_228 = tpu.memref_squeeze %dma_wait3A_227 : memref<1x1x256xi32, #tpu.memory_space<hbm>> -> memref<256xi32, #tpu.memory_space<hbm>>
      tpu.wait_dma2 semaphore(%run_scoped3A_220 : memref<!tpu.dma_semaphore, #tpu.memory_space<semaphore_mem>>) src(%arg5 : memref<256xi32, #tpu.memory_space<vmem>>) dst(%dma_wait3A_228 : memref<256xi32, #tpu.memory_space<hbm>>)
      tpu.yield
    }) : () -> ()
    %barrier3A = arith.constant 0 : index
    tpu.barrier barrier_id(%barrier3A)
    %iota3A = tpu.iota {dimensions = array<i32: 0>} : vector<16xi32>
    %mul3A_153 = arith.constant 131072 : i32
    %mul3A_154 = arith.muli %arg1, %mul3A_153 : i32
    %add3A_155 = arith.constant 0 : i32
    %add3A_156 = arith.addi %mul3A_154, %add3A_155 : i32
    %dma_start3A = arith.constant 0 : i32
    %dma_start3A_157 = arith.constant 0 : i32
    %dma_start3A_158 = arith.constant 0 : i32
    %dma_start3A_159 = tpu.memref_slice %arg6[%dma_start3A_157, %dma_start3A_158] : memref<2x256xi32, #tpu.memory_space<vmem>> -> memref<1x256xi32, #tpu.memory_space<vmem>>
    %dma_start3A_160 = tpu.memref_squeeze %dma_start3A_159 : memref<1x256xi32, #tpu.memory_space<vmem>> -> memref<256xi32, #tpu.memory_space<vmem>>
    %dma_start3A_161 = tpu.memref_slice %arg2[%arg0, %dma_start3A, %add3A_156] : memref<2x1x2097152xi32, #tpu.memory_space<hbm>> -> memref<1x1x256xi32, #tpu.memory_space<hbm>>
    %dma_start3A_162 = tpu.memref_squeeze %dma_start3A_161 : memref<1x1x256xi32, #tpu.memory_space<hbm>> -> memref<256xi32, #tpu.memory_space<hbm>>
    %dma_start3A_163 = arith.constant 0 : i32
    %dma_start3A_164 = tpu.memref_slice %arg6[%dma_start3A_157, %dma_start3A_163] : memref<2x256xi32, #tpu.memory_space<vmem>> -> memref<1x256xi32, #tpu.memory_space<vmem>>
    %dma_start3A_165 = tpu.memref_squeeze %dma_start3A_164 : memref<1x256xi32, #tpu.memory_space<vmem>> -> memref<256xi32, #tpu.memory_space<vmem>>
    %dma_start3A_166 = tpu.memref_slice %arg2[%arg0, %dma_start3A, %add3A_156] : memref<2x1x2097152xi32, #tpu.memory_space<hbm>> -> memref<1x1x256xi32, #tpu.memory_space<hbm>>
    %dma_start3A_167 = tpu.memref_squeeze %dma_start3A_166 : memref<1x1x256xi32, #tpu.memory_space<hbm>> -> memref<256xi32, #tpu.memory_space<hbm>>
    tpu.enqueue_dma source(%dma_start3A_167 : memref<256xi32, #tpu.memory_space<hbm>>) target(%dma_start3A_165 : memref<256xi32, #tpu.memory_space<vmem>>) target_semaphore(%arg9 : memref<!tpu.dma_semaphore, #tpu.memory_space<semaphore_mem>>)
    %scan3A_168 = arith.constant 0 : i32
    %scan3A_169 = arith.constant 0 : i32
    %scan3A_170 = arith.constant 512 : i32
    %scan3A_171 = arith.addi %scan3A_169, %scan3A_170 : i32
    %scan3A_172 = arith.constant 1 : i32
    %scan3A_173 = scf.for %scan3A_220 = %scan3A_169 to %scan3A_171 step %scan3A_172 iter_args(%scan3A_221 = %scan3A_168) -> (i32)  : i32 {
      %rem3A = arith.constant 2 : i32
      %rem3A_222 = arith.remsi %scan3A_220, %rem3A : i32
      %mul3A_223 = arith.constant 131072 : i32
      %mul3A_224 = arith.muli %arg1, %mul3A_223 : i32
      %mul3A_225 = arith.constant 256 : i32
      %mul3A_226 = arith.muli %scan3A_220, %mul3A_225 : i32
      %add3A_227 = arith.addi %mul3A_224, %mul3A_226 : i32
      %dma_wait3A_228 = arith.constant 0 : i32
      %dma_wait3A_229 = arith.constant 0 : i32
      %dma_wait3A_230 = tpu.memref_slice %arg6[%rem3A_222, %dma_wait3A_229] : memref<2x256xi32, #tpu.memory_space<vmem>> -> memref<1x256xi32, #tpu.memory_space<vmem>>
      %dma_wait3A_231 = tpu.memref_squeeze %dma_wait3A_230 : memref<1x256xi32, #tpu.memory_space<vmem>> -> memref<256xi32, #tpu.memory_space<vmem>>
      %dma_wait3A_232 = arith.constant 0 : i32
      %dma_wait3A_233 = tpu.memref_slice %arg2[%arg0, %dma_wait3A_228, %dma_wait3A_232] : memref<2x1x2097152xi32, #tpu.memory_space<hbm>> -> memref<1x1x256xi32, #tpu.memory_space<hbm>>
      %dma_wait3A_234 = tpu.memref_squeeze %dma_wait3A_233 : memref<1x1x256xi32, #tpu.memory_space<hbm>> -> memref<256xi32, #tpu.memory_space<hbm>>
      %dma_wait3A_235 = arith.constant 0 : i32
      %dma_wait3A_236 = tpu.memref_slice %arg6[%rem3A_222, %dma_wait3A_235] : memref<2x256xi32, #tpu.memory_space<vmem>> -> memref<1x256xi32, #tpu.memory_space<vmem>>
      %dma_wait3A_237 = tpu.memref_squeeze %dma_wait3A_236 : memref<1x256xi32, #tpu.memory_space<vmem>> -> memref<256xi32, #tpu.memory_space<vmem>>
      %dma_wait3A_238 = arith.constant 0 : i32
      %dma_wait3A_239 = tpu.memref_slice %arg2[%arg0, %dma_wait3A_228, %dma_wait3A_238] : memref<2x1x2097152xi32, #tpu.memory_space<hbm>> -> memref<1x1x256xi32, #tpu.memory_space<hbm>>
      %dma_wait3A_240 = tpu.memref_squeeze %dma_wait3A_239 : memref<1x1x256xi32, #tpu.memory_space<hbm>> -> memref<256xi32, #tpu.memory_space<hbm>>
      tpu.wait_dma2 semaphore(%arg9 : memref<!tpu.dma_semaphore, #tpu.memory_space<semaphore_mem>>) src(%dma_wait3A_240 : memref<256xi32, #tpu.memory_space<hbm>>) dst(%dma_wait3A_237 : memref<256xi32, #tpu.memory_space<vmem>>)
      %lt3A = arith.constant 511 : i32
      %lt3A_241 = arith.cmpi slt, %scan3A_220, %lt3A : i32
      %convert_element_type3A = arith.extui %lt3A_241 : i1 to i32
      %cond3A = arith.constant 0 : i32
      %cond3A_242 = arith.cmpi ne, %convert_element_type3A, %cond3A : i32
      scf.if %cond3A_242 {
        %add3A_812 = arith.constant 1 : i32
        %add3A_813 = arith.addi %scan3A_220, %add3A_812 : i32
        %sub3A = arith.constant 1 : i32
        %sub3A_814 = arith.subi %sub3A, %rem3A_222 : i32
        %mul3A_815 = arith.constant 131072 : i32
        %mul3A_816 = arith.muli %arg1, %mul3A_815 : i32
        %mul3A_817 = arith.constant 256 : i32
        %mul3A_818 = arith.muli %add3A_813, %mul3A_817 : i32
        %add3A_819 = arith.addi %mul3A_816, %mul3A_818 : i32
        %dma_start3A_820 = arith.constant 0 : i32
        %dma_start3A_821 = arith.constant 0 : i32
        %dma_start3A_822 = tpu.memref_slice %arg6[%sub3A_814, %dma_start3A_821] : memref<2x256xi32, #tpu.memory_space<vmem>> -> memref<1x256xi32, #tpu.memory_space<vmem>>
        %dma_start3A_823 = tpu.memref_squeeze %dma_start3A_822 : memref<1x256xi32, #tpu.memory_space<vmem>> -> memref<256xi32, #tpu.memory_space<vmem>>
        %dma_start3A_824 = tpu.memref_slice %arg2[%arg0, %dma_start3A_820, %add3A_819] : memref<2x1x2097152xi32, #tpu.memory_space<hbm>> -> memref<1x1x256xi32, #tpu.memory_space<hbm>>
        %dma_start3A_825 = tpu.memref_squeeze %dma_start3A_824 : memref<1x1x256xi32, #tpu.memory_space<hbm>> -> memref<256xi32, #tpu.memory_space<hbm>>
        %dma_start3A_826 = arith.constant 0 : i32
        %dma_start3A_827 = tpu.memref_slice %arg6[%sub3A_814, %dma_start3A_826] : memref<2x256xi32, #tpu.memory_space<vmem>> -> memref<1x256xi32, #tpu.memory_space<vmem>>
        %dma_start3A_828 = tpu.memref_squeeze %dma_start3A_827 : memref<1x256xi32, #tpu.memory_space<vmem>> -> memref<256xi32, #tpu.memory_space<vmem>>
        %dma_start3A_829 = tpu.memref_slice %arg2[%arg0, %dma_start3A_820, %add3A_819] : memref<2x1x2097152xi32, #tpu.memory_space<hbm>> -> memref<1x1x256xi32, #tpu.memory_space<hbm>>
        %dma_start3A_830 = tpu.memref_squeeze %dma_start3A_829 : memref<1x1x256xi32, #tpu.memory_space<hbm>> -> memref<256xi32, #tpu.memory_space<hbm>>
        tpu.enqueue_dma source(%dma_start3A_830 : memref<256xi32, #tpu.memory_space<hbm>>) target(%dma_start3A_828 : memref<256xi32, #tpu.memory_space<vmem>>) target_semaphore(%arg9 : memref<!tpu.dma_semaphore, #tpu.memory_space<semaphore_mem>>)
      } else {
      }
      %ge3A = arith.constant 2 : i32
      %ge3A_243 = arith.cmpi sge, %scan3A_220, %ge3A : i32
      %convert_element_type3A_244 = arith.extui %ge3A_243 : i1 to i32
      %cond3A_245 = arith.constant 0 : i32
      %cond3A_246 = arith.cmpi ne, %convert_element_type3A_244, %cond3A_245 : i32
      scf.if %cond3A_246 {
        %mul3A_812 = arith.constant 2 : i32
        %mul3A_813 = arith.muli %rem3A_222, %mul3A_812 : i32
        %add3A_814 = arith.constant 0 : i32
        %add3A_815 = arith.addi %mul3A_813, %add3A_814 : i32
        %dma_wait3A_816 = arith.constant 0 : i32
        %dma_wait3A_817 = tpu.memref_slice %arg8[%add3A_815, %dma_wait3A_816] : memref<4x128xi32, #tpu.memory_space<vmem>> -> memref<1x128xi32, #tpu.memory_space<vmem>>
        %dma_wait3A_818 = tpu.memref_squeeze %dma_wait3A_817 : memref<1x128xi32, #tpu.memory_space<vmem>> -> memref<128xi32, #tpu.memory_space<vmem>>
        %dma_wait3A_819 = arith.constant 0 : i32
        %dma_wait3A_820 = tpu.memref_slice %arg7[%add3A_815, %dma_wait3A_819] : memref<4x128xi32, #tpu.memory_space<vmem>> -> memref<1x128xi32, #tpu.memory_space<vmem>>
        %dma_wait3A_821 = tpu.memref_squeeze %dma_wait3A_820 : memref<1x128xi32, #tpu.memory_space<vmem>> -> memref<128xi32, #tpu.memory_space<vmem>>
        %dma_wait3A_822 = arith.constant 0 : i32
        %dma_wait3A_823 = tpu.memref_slice %arg4[%dma_wait3A_822] : memref<2064384xi32, #tpu.memory_space<vmem_shared>> -> memref<2064384xi32, #tpu.memory_space<vmem_shared>>
        tpu.wait_indirect_dma semaphore(%arg10 : memref<!tpu.dma_semaphore, #tpu.memory_space<semaphore_mem>>) src(%dma_wait3A_818 : memref<128xi32, #tpu.memory_space<vmem>>) dst(%dma_wait3A_823 : memref<2064384xi32, #tpu.memory_space<vmem_shared>>)
        %mul3A_824 = arith.constant 2 : i32
        %mul3A_825 = arith.muli %rem3A_222, %mul3A_824 : i32
        %add3A_826 = arith.constant 1 : i32
        %add3A_827 = arith.addi %mul3A_825, %add3A_826 : i32
        %dma_wait3A_828 = arith.constant 0 : i32
        %dma_wait3A_829 = tpu.memref_slice %arg8[%add3A_827, %dma_wait3A_828] : memref<4x128xi32, #tpu.memory_space<vmem>> -> memref<1x128xi32, #tpu.memory_space<vmem>>
        %dma_wait3A_830 = tpu.memref_squeeze %dma_wait3A_829 : memref<1x128xi32, #tpu.memory_space<vmem>> -> memref<128xi32, #tpu.memory_space<vmem>>
        %dma_wait3A_831 = arith.constant 0 : i32
        %dma_wait3A_832 = tpu.memref_slice %arg7[%add3A_827, %dma_wait3A_831] : memref<4x128xi32, #tpu.memory_space<vmem>> -> memref<1x128xi32, #tpu.memory_space<vmem>>
        %dma_wait3A_833 = tpu.memref_squeeze %dma_wait3A_832 : memref<1x128xi32, #tpu.memory_space<vmem>> -> memref<128xi32, #tpu.memory_space<vmem>>
        %dma_wait3A_834 = arith.constant 0 : i32
        %dma_wait3A_835 = tpu.memref_slice %arg4[%dma_wait3A_834] : memref<2064384xi32, #tpu.memory_space<vmem_shared>> -> memref<2064384xi32, #tpu.memory_space<vmem_shared>>
        tpu.wait_indirect_dma semaphore(%arg10 : memref<!tpu.dma_semaphore, #tpu.memory_space<semaphore_mem>>) src(%dma_wait3A_830 : memref<128xi32, #tpu.memory_space<vmem>>) dst(%dma_wait3A_835 : memref<2064384xi32, #tpu.memory_space<vmem_shared>>)
      } else {
      }
      %mul3A_247 = arith.constant 2 : i32
      %mul3A_248 = arith.muli %rem3A_222, %mul3A_247 : i32
      %add3A_249 = arith.constant 0 : i32
      %add3A_250 = arith.addi %mul3A_248, %add3A_249 : i32
      %get3A = arith.index_cast %rem3A_222 : i32 to index
      %get3A_251 = arith.constant 0 : index
      %get3A_252 = tpu.vector_load %arg6[%get3A, %get3A_251] {strides = array<i32>} : memref<2x256xi32, #tpu.memory_space<vmem>>, vector<1x16xi32>,
      %get3A_253 = vector.shape_cast %get3A_252 : vector<1x16xi32> to vector<16xi32>
      %add3A_254 = arith.constant 0 : i32
      %add3A_255 = arith.addi %add3A_227, %add3A_254 : i32
      %add3A_256 = vector.broadcast %add3A_255 : i32 to vector<16xi32>
      %add3A_257 = arith.addi %add3A_256, %iota3A : vector<16xi32>
      %lt3A_258 = arith.constant 1999996 : i32
      %lt3A_259 = vector.broadcast %lt3A_258 : i32 to vector<16xi32>
      %lt3A_260 = arith.cmpi slt, %add3A_257, %lt3A_259 : vector<16xi32>
      %lt3A_261 = arith.constant 2064384 : i32
      %lt3A_262 = vector.broadcast %lt3A_261 : i32 to vector<16xi32>
      %lt3A_263 = arith.cmpi slt, %get3A_253, %lt3A_262 : vector<16xi32>
      %and3A = arith.andi %lt3A_260, %lt3A_263 : vector<16xi1>
      %add3A_264 = arith.constant 0 : i32
      %add3A_265 = vector.broadcast %add3A_264 : i32 to vector<16xi32>
      %add3A_266 = arith.addi %add3A_265, %iota3A : vector<16xi32>
      %select_n3A = arith.select %and3A, %get3A_253, %add3A_266 : vector<16xi1>, vector<16xi32>
      %swap3A_267 = arith.index_cast %add3A_250 : i32 to index
      %swap3A_268 = arith.constant 0 : index
      %swap3A_269 = tpu.vector_load %arg7[%swap3A_267, %swap3A_268] {strides = array<i32>} : memref<4x128xi32, #tpu.memory_space<vmem>>, vector<1x16xi32>,
      %swap3A_270 = vector.shape_cast %swap3A_269 : vector<1x16xi32> to vector<16xi32>
      %swap3A_271 = vector.shape_cast %select_n3A : vector<16xi32> to vector<1x16xi32>
      tpu.vector_store %arg7[%swap3A_267, %swap3A_268], %swap3A_271 {strides = array<i32>} : memref<4x128xi32, #tpu.memory_space<vmem>>, vector<1x16xi32>,
      %jit3A = arith.constant 1 : i32
      %jit3A_272 = arith.constant 0 : i32
      %broadcast_in_dim3A_273 = vector.broadcast %jit3A : i32 to vector<16xi32>
      %broadcast_in_dim3A_274 = vector.broadcast %jit3A_272 : i32 to vector<16xi32>
      %select_n3A_275 = arith.select %and3A, %broadcast_in_dim3A_273, %broadcast_in_dim3A_274 : vector<16xi1>, vector<16xi32>
      %swap3A_276 = arith.index_cast %add3A_250 : i32 to index
      %swap3A_277 = arith.constant 0 : index
      %swap3A_278 = tpu.vector_load %arg8[%swap3A_276, %swap3A_277] {strides = array<i32>} : memref<4x128xi32, #tpu.memory_space<vmem>>, vector<1x16xi32>,
      %swap3A_279 = vector.shape_cast %swap3A_278 : vector<1x16xi32> to vector<16xi32>
      %swap3A_280 = vector.shape_cast %select_n3A_275 : vector<16xi32> to vector<1x16xi32>
      tpu.vector_store %arg8[%swap3A_276, %swap3A_277], %swap3A_280 {strides = array<i32>} : memref<4x128xi32, #tpu.memory_space<vmem>>, vector<1x16xi32>,
      %get3A_281 = arith.index_cast %rem3A_222 : i32 to index
      %get3A_282 = arith.constant 16 : index
      %get3A_283 = tpu.vector_load %arg6[%get3A_281, %get3A_282] {strides = array<i32>} : memref<2x256xi32, #tpu.memory_space<vmem>>, vector<1x16xi32>,
      %get3A_284 = vector.shape_cast %get3A_283 : vector<1x16xi32> to vector<16xi32>
      %add3A_285 = arith.constant 16 : i32
      %add3A_286 = arith.addi %add3A_227, %add3A_285 : i32
      %add3A_287 = vector.broadcast %add3A_286 : i32 to vector<16xi32>
      %add3A_288 = arith.addi %add3A_287, %iota3A : vector<16xi32>
      %lt3A_289 = arith.constant 1999996 : i32
      %lt3A_290 = vector.broadcast %lt3A_289 : i32 to vector<16xi32>
      %lt3A_291 = arith.cmpi slt, %add3A_288, %lt3A_290 : vector<16xi32>
      %lt3A_292 = arith.constant 2064384 : i32
      %lt3A_293 = vector.broadcast %lt3A_292 : i32 to vector<16xi32>
      %lt3A_294 = arith.cmpi slt, %get3A_284, %lt3A_293 : vector<16xi32>
      %and3A_295 = arith.andi %lt3A_291, %lt3A_294 : vector<16xi1>
      %add3A_296 = arith.constant 16 : i32
      %add3A_297 = vector.broadcast %add3A_296 : i32 to vector<16xi32>
      %add3A_298 = arith.addi %add3A_297, %iota3A : vector<16xi32>
      %select_n3A_299 = arith.select %and3A_295, %get3A_284, %add3A_298 : vector<16xi1>, vector<16xi32>
      %swap3A_300 = arith.index_cast %add3A_250 : i32 to index
      %swap3A_301 = arith.constant 16 : index
      %swap3A_302 = tpu.vector_load %arg7[%swap3A_300, %swap3A_301] {strides = array<i32>} : memref<4x128xi32, #tpu.memory_space<vmem>>, vector<1x16xi32>,
      %swap3A_303 = vector.shape_cast %swap3A_302 : vector<1x16xi32> to vector<16xi32>
      %swap3A_304 = vector.shape_cast %select_n3A_299 : vector<16xi32> to vector<1x16xi32>
      tpu.vector_store %arg7[%swap3A_300, %swap3A_301], %swap3A_304 {strides = array<i32>} : memref<4x128xi32, #tpu.memory_space<vmem>>, vector<1x16xi32>,
      %jit3A_305 = arith.constant 1 : i32
      %jit3A_306 = arith.constant 0 : i32
      %broadcast_in_dim3A_307 = vector.broadcast %jit3A_305 : i32 to vector<16xi32>
      %broadcast_in_dim3A_308 = vector.broadcast %jit3A_306 : i32 to vector<16xi32>
      %select_n3A_309 = arith.select %and3A_295, %broadcast_in_dim3A_307, %broadcast_in_dim3A_308 : vector<16xi1>, vector<16xi32>
      %swap3A_310 = arith.index_cast %add3A_250 : i32 to index
      %swap3A_311 = arith.constant 16 : index
      %swap3A_312 = tpu.vector_load %arg8[%swap3A_310, %swap3A_311] {strides = array<i32>} : memref<4x128xi32, #tpu.memory_space<vmem>>, vector<1x16xi32>,
      %swap3A_313 = vector.shape_cast %swap3A_312 : vector<1x16xi32> to vector<16xi32>
      %swap3A_314 = vector.shape_cast %select_n3A_309 : vector<16xi32> to vector<1x16xi32>
      tpu.vector_store %arg8[%swap3A_310, %swap3A_311], %swap3A_314 {strides = array<i32>} : memref<4x128xi32, #tpu.memory_space<vmem>>, vector<1x16xi32>,
      %get3A_315 = arith.index_cast %rem3A_222 : i32 to index
      %get3A_316 = arith.constant 32 : index
      %get3A_317 = tpu.vector_load %arg6[%get3A_315, %get3A_316] {strides = array<i32>} : memref<2x256xi32, #tpu.memory_space<vmem>>, vector<1x16xi32>,
      %get3A_318 = vector.shape_cast %get3A_317 : vector<1x16xi32> to vector<16xi32>
      %add3A_319 = arith.constant 32 : i32
      %add3A_320 = arith.addi %add3A_227, %add3A_319 : i32
      %add3A_321 = vector.broadcast %add3A_320 : i32 to vector<16xi32>
      %add3A_322 = arith.addi %add3A_321, %iota3A : vector<16xi32>
      %lt3A_323 = arith.constant 1999996 : i32
      %lt3A_324 = vector.broadcast %lt3A_323 : i32 to vector<16xi32>
      %lt3A_325 = arith.cmpi slt, %add3A_322, %lt3A_324 : vector<16xi32>
      %lt3A_326 = arith.constant 2064384 : i32
      %lt3A_327 = vector.broadcast %lt3A_326 : i32 to vector<16xi32>
      %lt3A_328 = arith.cmpi slt, %get3A_318, %lt3A_327 : vector<16xi32>
      %and3A_329 = arith.andi %lt3A_325, %lt3A_328 : vector<16xi1>
      %add3A_330 = arith.constant 32 : i32
      %add3A_331 = vector.broadcast %add3A_330 : i32 to vector<16xi32>
      %add3A_332 = arith.addi %add3A_331, %iota3A : vector<16xi32>
      %select_n3A_333 = arith.select %and3A_329, %get3A_318, %add3A_332 : vector<16xi1>, vector<16xi32>
      %swap3A_334 = arith.index_cast %add3A_250 : i32 to index
      %swap3A_335 = arith.constant 32 : index
      %swap3A_336 = tpu.vector_load %arg7[%swap3A_334, %swap3A_335] {strides = array<i32>} : memref<4x128xi32, #tpu.memory_space<vmem>>, vector<1x16xi32>,
      %swap3A_337 = vector.shape_cast %swap3A_336 : vector<1x16xi32> to vector<16xi32>
      %swap3A_338 = vector.shape_cast %select_n3A_333 : vector<16xi32> to vector<1x16xi32>
      tpu.vector_store %arg7[%swap3A_334, %swap3A_335], %swap3A_338 {strides = array<i32>} : memref<4x128xi32, #tpu.memory_space<vmem>>, vector<1x16xi32>,
      %jit3A_339 = arith.constant 1 : i32
      %jit3A_340 = arith.constant 0 : i32
      %broadcast_in_dim3A_341 = vector.broadcast %jit3A_339 : i32 to vector<16xi32>
      %broadcast_in_dim3A_342 = vector.broadcast %jit3A_340 : i32 to vector<16xi32>
      %select_n3A_343 = arith.select %and3A_329, %broadcast_in_dim3A_341, %broadcast_in_dim3A_342 : vector<16xi1>, vector<16xi32>
      %swap3A_344 = arith.index_cast %add3A_250 : i32 to index
      %swap3A_345 = arith.constant 32 : index
      %swap3A_346 = tpu.vector_load %arg8[%swap3A_344, %swap3A_345] {strides = array<i32>} : memref<4x128xi32, #tpu.memory_space<vmem>>, vector<1x16xi32>,
      %swap3A_347 = vector.shape_cast %swap3A_346 : vector<1x16xi32> to vector<16xi32>
      %swap3A_348 = vector.shape_cast %select_n3A_343 : vector<16xi32> to vector<1x16xi32>
      tpu.vector_store %arg8[%swap3A_344, %swap3A_345], %swap3A_348 {strides = array<i32>} : memref<4x128xi32, #tpu.memory_space<vmem>>, vector<1x16xi32>,
      %get3A_349 = arith.index_cast %rem3A_222 : i32 to index
      %get3A_350 = arith.constant 48 : index
      %get3A_351 = tpu.vector_load %arg6[%get3A_349, %get3A_350] {strides = array<i32>} : memref<2x256xi32, #tpu.memory_space<vmem>>, vector<1x16xi32>,
      %get3A_352 = vector.shape_cast %get3A_351 : vector<1x16xi32> to vector<16xi32>
      %add3A_353 = arith.constant 48 : i32
      %add3A_354 = arith.addi %add3A_227, %add3A_353 : i32
      %add3A_355 = vector.broadcast %add3A_354 : i32 to vector<16xi32>
      %add3A_356 = arith.addi %add3A_355, %iota3A : vector<16xi32>
      %lt3A_357 = arith.constant 1999996 : i32
      %lt3A_358 = vector.broadcast %lt3A_357 : i32 to vector<16xi32>
      %lt3A_359 = arith.cmpi slt, %add3A_356, %lt3A_358 : vector<16xi32>
      %lt3A_360 = arith.constant 2064384 : i32
      %lt3A_361 = vector.broadcast %lt3A_360 : i32 to vector<16xi32>
      %lt3A_362 = arith.cmpi slt, %get3A_352, %lt3A_361 : vector<16xi32>
      %and3A_363 = arith.andi %lt3A_359, %lt3A_362 : vector<16xi1>
      %add3A_364 = arith.constant 48 : i32
      %add3A_365 = vector.broadcast %add3A_364 : i32 to vector<16xi32>
      %add3A_366 = arith.addi %add3A_365, %iota3A : vector<16xi32>
      %select_n3A_367 = arith.select %and3A_363, %get3A_352, %add3A_366 : vector<16xi1>, vector<16xi32>
      %swap3A_368 = arith.index_cast %add3A_250 : i32 to index
      %swap3A_369 = arith.constant 48 : index
      %swap3A_370 = tpu.vector_load %arg7[%swap3A_368, %swap3A_369] {strides = array<i32>} : memref<4x128xi32, #tpu.memory_space<vmem>>, vector<1x16xi32>,
      %swap3A_371 = vector.shape_cast %swap3A_370 : vector<1x16xi32> to vector<16xi32>
      %swap3A_372 = vector.shape_cast %select_n3A_367 : vector<16xi32> to vector<1x16xi32>
      tpu.vector_store %arg7[%swap3A_368, %swap3A_369], %swap3A_372 {strides = array<i32>} : memref<4x128xi32, #tpu.memory_space<vmem>>, vector<1x16xi32>,
      %jit3A_373 = arith.constant 1 : i32
      %jit3A_374 = arith.constant 0 : i32
      %broadcast_in_dim3A_375 = vector.broadcast %jit3A_373 : i32 to vector<16xi32>
      %broadcast_in_dim3A_376 = vector.broadcast %jit3A_374 : i32 to vector<16xi32>
      %select_n3A_377 = arith.select %and3A_363, %broadcast_in_dim3A_375, %broadcast_in_dim3A_376 : vector<16xi1>, vector<16xi32>
      %swap3A_378 = arith.index_cast %add3A_250 : i32 to index
      %swap3A_379 = arith.constant 48 : index
      %swap3A_380 = tpu.vector_load %arg8[%swap3A_378, %swap3A_379] {strides = array<i32>} : memref<4x128xi32, #tpu.memory_space<vmem>>, vector<1x16xi32>,
      %swap3A_381 = vector.shape_cast %swap3A_380 : vector<1x16xi32> to vector<16xi32>
      %swap3A_382 = vector.shape_cast %select_n3A_377 : vector<16xi32> to vector<1x16xi32>
      tpu.vector_store %arg8[%swap3A_378, %swap3A_379], %swap3A_382 {strides = array<i32>} : memref<4x128xi32, #tpu.memory_space<vmem>>, vector<1x16xi32>,
      %get3A_383 = arith.index_cast %rem3A_222 : i32 to index
      %get3A_384 = arith.constant 64 : index
      %get3A_385 = tpu.vector_load %arg6[%get3A_383, %get3A_384] {strides = array<i32>} : memref<2x256xi32, #tpu.memory_space<vmem>>, vector<1x16xi32>,
      %get3A_386 = vector.shape_cast %get3A_385 : vector<1x16xi32> to vector<16xi32>
      %add3A_387 = arith.constant 64 : i32
      %add3A_388 = arith.addi %add3A_227, %add3A_387 : i32
      %add3A_389 = vector.broadcast %add3A_388 : i32 to vector<16xi32>
      %add3A_390 = arith.addi %add3A_389, %iota3A : vector<16xi32>
      %lt3A_391 = arith.constant 1999996 : i32
      %lt3A_392 = vector.broadcast %lt3A_391 : i32 to vector<16xi32>
      %lt3A_393 = arith.cmpi slt, %add3A_390, %lt3A_392 : vector<16xi32>
      %lt3A_394 = arith.constant 2064384 : i32
      %lt3A_395 = vector.broadcast %lt3A_394 : i32 to vector<16xi32>
      %lt3A_396 = arith.cmpi slt, %get3A_386, %lt3A_395 : vector<16xi32>
      %and3A_397 = arith.andi %lt3A_393, %lt3A_396 : vector<16xi1>
      %add3A_398 = arith.constant 64 : i32
      %add3A_399 = vector.broadcast %add3A_398 : i32 to vector<16xi32>
      %add3A_400 = arith.addi %add3A_399, %iota3A : vector<16xi32>
      %select_n3A_401 = arith.select %and3A_397, %get3A_386, %add3A_400 : vector<16xi1>, vector<16xi32>
      %swap3A_402 = arith.index_cast %add3A_250 : i32 to index
      %swap3A_403 = arith.constant 64 : index
      %swap3A_404 = tpu.vector_load %arg7[%swap3A_402, %swap3A_403] {strides = array<i32>} : memref<4x128xi32, #tpu.memory_space<vmem>>, vector<1x16xi32>,
      %swap3A_405 = vector.shape_cast %swap3A_404 : vector<1x16xi32> to vector<16xi32>
      %swap3A_406 = vector.shape_cast %select_n3A_401 : vector<16xi32> to vector<1x16xi32>
      tpu.vector_store %arg7[%swap3A_402, %swap3A_403], %swap3A_406 {strides = array<i32>} : memref<4x128xi32, #tpu.memory_space<vmem>>, vector<1x16xi32>,
      %jit3A_407 = arith.constant 1 : i32
      %jit3A_408 = arith.constant 0 : i32
      %broadcast_in_dim3A_409 = vector.broadcast %jit3A_407 : i32 to vector<16xi32>
      %broadcast_in_dim3A_410 = vector.broadcast %jit3A_408 : i32 to vector<16xi32>
      %select_n3A_411 = arith.select %and3A_397, %broadcast_in_dim3A_409, %broadcast_in_dim3A_410 : vector<16xi1>, vector<16xi32>
      %swap3A_412 = arith.index_cast %add3A_250 : i32 to index
      %swap3A_413 = arith.constant 64 : index
      %swap3A_414 = tpu.vector_load %arg8[%swap3A_412, %swap3A_413] {strides = array<i32>} : memref<4x128xi32, #tpu.memory_space<vmem>>, vector<1x16xi32>,
      %swap3A_415 = vector.shape_cast %swap3A_414 : vector<1x16xi32> to vector<16xi32>
      %swap3A_416 = vector.shape_cast %select_n3A_411 : vector<16xi32> to vector<1x16xi32>
      tpu.vector_store %arg8[%swap3A_412, %swap3A_413], %swap3A_416 {strides = array<i32>} : memref<4x128xi32, #tpu.memory_space<vmem>>, vector<1x16xi32>,
      %get3A_417 = arith.index_cast %rem3A_222 : i32 to index
      %get3A_418 = arith.constant 80 : index
      %get3A_419 = tpu.vector_load %arg6[%get3A_417, %get3A_418] {strides = array<i32>} : memref<2x256xi32, #tpu.memory_space<vmem>>, vector<1x16xi32>,
      %get3A_420 = vector.shape_cast %get3A_419 : vector<1x16xi32> to vector<16xi32>
      %add3A_421 = arith.constant 80 : i32
      %add3A_422 = arith.addi %add3A_227, %add3A_421 : i32
      %add3A_423 = vector.broadcast %add3A_422 : i32 to vector<16xi32>
      %add3A_424 = arith.addi %add3A_423, %iota3A : vector<16xi32>
      %lt3A_425 = arith.constant 1999996 : i32
      %lt3A_426 = vector.broadcast %lt3A_425 : i32 to vector<16xi32>
      %lt3A_427 = arith.cmpi slt, %add3A_424, %lt3A_426 : vector<16xi32>
      %lt3A_428 = arith.constant 2064384 : i32
      %lt3A_429 = vector.broadcast %lt3A_428 : i32 to vector<16xi32>
      %lt3A_430 = arith.cmpi slt, %get3A_420, %lt3A_429 : vector<16xi32>
      %and3A_431 = arith.andi %lt3A_427, %lt3A_430 : vector<16xi1>
      %add3A_432 = arith.constant 80 : i32
      %add3A_433 = vector.broadcast %add3A_432 : i32 to vector<16xi32>
      %add3A_434 = arith.addi %add3A_433, %iota3A : vector<16xi32>
      %select_n3A_435 = arith.select %and3A_431, %get3A_420, %add3A_434 : vector<16xi1>, vector<16xi32>
      %swap3A_436 = arith.index_cast %add3A_250 : i32 to index
      %swap3A_437 = arith.constant 80 : index
      %swap3A_438 = tpu.vector_load %arg7[%swap3A_436, %swap3A_437] {strides = array<i32>} : memref<4x128xi32, #tpu.memory_space<vmem>>, vector<1x16xi32>,
      %swap3A_439 = vector.shape_cast %swap3A_438 : vector<1x16xi32> to vector<16xi32>
      %swap3A_440 = vector.shape_cast %select_n3A_435 : vector<16xi32> to vector<1x16xi32>
      tpu.vector_store %arg7[%swap3A_436, %swap3A_437], %swap3A_440 {strides = array<i32>} : memref<4x128xi32, #tpu.memory_space<vmem>>, vector<1x16xi32>,
      %jit3A_441 = arith.constant 1 : i32
      %jit3A_442 = arith.constant 0 : i32
      %broadcast_in_dim3A_443 = vector.broadcast %jit3A_441 : i32 to vector<16xi32>
      %broadcast_in_dim3A_444 = vector.broadcast %jit3A_442 : i32 to vector<16xi32>
      %select_n3A_445 = arith.select %and3A_431, %broadcast_in_dim3A_443, %broadcast_in_dim3A_444 : vector<16xi1>, vector<16xi32>
      %swap3A_446 = arith.index_cast %add3A_250 : i32 to index
      %swap3A_447 = arith.constant 80 : index
      %swap3A_448 = tpu.vector_load %arg8[%swap3A_446, %swap3A_447] {strides = array<i32>} : memref<4x128xi32, #tpu.memory_space<vmem>>, vector<1x16xi32>,
      %swap3A_449 = vector.shape_cast %swap3A_448 : vector<1x16xi32> to vector<16xi32>
      %swap3A_450 = vector.shape_cast %select_n3A_445 : vector<16xi32> to vector<1x16xi32>
      tpu.vector_store %arg8[%swap3A_446, %swap3A_447], %swap3A_450 {strides = array<i32>} : memref<4x128xi32, #tpu.memory_space<vmem>>, vector<1x16xi32>,
      %get3A_451 = arith.index_cast %rem3A_222 : i32 to index
      %get3A_452 = arith.constant 96 : index
      %get3A_453 = tpu.vector_load %arg6[%get3A_451, %get3A_452] {strides = array<i32>} : memref<2x256xi32, #tpu.memory_space<vmem>>, vector<1x16xi32>,
      %get3A_454 = vector.shape_cast %get3A_453 : vector<1x16xi32> to vector<16xi32>
      %add3A_455 = arith.constant 96 : i32
      %add3A_456 = arith.addi %add3A_227, %add3A_455 : i32
      %add3A_457 = vector.broadcast %add3A_456 : i32 to vector<16xi32>
      %add3A_458 = arith.addi %add3A_457, %iota3A : vector<16xi32>
      %lt3A_459 = arith.constant 1999996 : i32
      %lt3A_460 = vector.broadcast %lt3A_459 : i32 to vector<16xi32>
      %lt3A_461 = arith.cmpi slt, %add3A_458, %lt3A_460 : vector<16xi32>
      %lt3A_462 = arith.constant 2064384 : i32
      %lt3A_463 = vector.broadcast %lt3A_462 : i32 to vector<16xi32>
      %lt3A_464 = arith.cmpi slt, %get3A_454, %lt3A_463 : vector<16xi32>
      %and3A_465 = arith.andi %lt3A_461, %lt3A_464 : vector<16xi1>
      %add3A_466 = arith.constant 96 : i32
      %add3A_467 = vector.broadcast %add3A_466 : i32 to vector<16xi32>
      %add3A_468 = arith.addi %add3A_467, %iota3A : vector<16xi32>
      %select_n3A_469 = arith.select %and3A_465, %get3A_454, %add3A_468 : vector<16xi1>, vector<16xi32>
      %swap3A_470 = arith.index_cast %add3A_250 : i32 to index
      %swap3A_471 = arith.constant 96 : index
      %swap3A_472 = tpu.vector_load %arg7[%swap3A_470, %swap3A_471] {strides = array<i32>} : memref<4x128xi32, #tpu.memory_space<vmem>>, vector<1x16xi32>,
      %swap3A_473 = vector.shape_cast %swap3A_472 : vector<1x16xi32> to vector<16xi32>
      %swap3A_474 = vector.shape_cast %select_n3A_469 : vector<16xi32> to vector<1x16xi32>
      tpu.vector_store %arg7[%swap3A_470, %swap3A_471], %swap3A_474 {strides = array<i32>} : memref<4x128xi32, #tpu.memory_space<vmem>>, vector<1x16xi32>,
      %jit3A_475 = arith.constant 1 : i32
      %jit3A_476 = arith.constant 0 : i32
      %broadcast_in_dim3A_477 = vector.broadcast %jit3A_475 : i32 to vector<16xi32>
      %broadcast_in_dim3A_478 = vector.broadcast %jit3A_476 : i32 to vector<16xi32>
      %select_n3A_479 = arith.select %and3A_465, %broadcast_in_dim3A_477, %broadcast_in_dim3A_478 : vector<16xi1>, vector<16xi32>
      %swap3A_480 = arith.index_cast %add3A_250 : i32 to index
      %swap3A_481 = arith.constant 96 : index
      %swap3A_482 = tpu.vector_load %arg8[%swap3A_480, %swap3A_481] {strides = array<i32>} : memref<4x128xi32, #tpu.memory_space<vmem>>, vector<1x16xi32>,
      %swap3A_483 = vector.shape_cast %swap3A_482 : vector<1x16xi32> to vector<16xi32>
      %swap3A_484 = vector.shape_cast %select_n3A_479 : vector<16xi32> to vector<1x16xi32>
      tpu.vector_store %arg8[%swap3A_480, %swap3A_481], %swap3A_484 {strides = array<i32>} : memref<4x128xi32, #tpu.memory_space<vmem>>, vector<1x16xi32>,
      %get3A_485 = arith.index_cast %rem3A_222 : i32 to index
      %get3A_486 = arith.constant 112 : index
      %get3A_487 = tpu.vector_load %arg6[%get3A_485, %get3A_486] {strides = array<i32>} : memref<2x256xi32, #tpu.memory_space<vmem>>, vector<1x16xi32>,
      %get3A_488 = vector.shape_cast %get3A_487 : vector<1x16xi32> to vector<16xi32>
      %add3A_489 = arith.constant 112 : i32
      %add3A_490 = arith.addi %add3A_227, %add3A_489 : i32
      %add3A_491 = vector.broadcast %add3A_490 : i32 to vector<16xi32>
      %add3A_492 = arith.addi %add3A_491, %iota3A : vector<16xi32>
      %lt3A_493 = arith.constant 1999996 : i32
      %lt3A_494 = vector.broadcast %lt3A_493 : i32 to vector<16xi32>
      %lt3A_495 = arith.cmpi slt, %add3A_492, %lt3A_494 : vector<16xi32>
      %lt3A_496 = arith.constant 2064384 : i32
      %lt3A_497 = vector.broadcast %lt3A_496 : i32 to vector<16xi32>
      %lt3A_498 = arith.cmpi slt, %get3A_488, %lt3A_497 : vector<16xi32>
      %and3A_499 = arith.andi %lt3A_495, %lt3A_498 : vector<16xi1>
      %add3A_500 = arith.constant 112 : i32
      %add3A_501 = vector.broadcast %add3A_500 : i32 to vector<16xi32>
      %add3A_502 = arith.addi %add3A_501, %iota3A : vector<16xi32>
      %select_n3A_503 = arith.select %and3A_499, %get3A_488, %add3A_502 : vector<16xi1>, vector<16xi32>
      %swap3A_504 = arith.index_cast %add3A_250 : i32 to index
      %swap3A_505 = arith.constant 112 : index
      %swap3A_506 = tpu.vector_load %arg7[%swap3A_504, %swap3A_505] {strides = array<i32>} : memref<4x128xi32, #tpu.memory_space<vmem>>, vector<1x16xi32>,
      %swap3A_507 = vector.shape_cast %swap3A_506 : vector<1x16xi32> to vector<16xi32>
      %swap3A_508 = vector.shape_cast %select_n3A_503 : vector<16xi32> to vector<1x16xi32>
      tpu.vector_store %arg7[%swap3A_504, %swap3A_505], %swap3A_508 {strides = array<i32>} : memref<4x128xi32, #tpu.memory_space<vmem>>, vector<1x16xi32>,
      %jit3A_509 = arith.constant 1 : i32
      %jit3A_510 = arith.constant 0 : i32
      %broadcast_in_dim3A_511 = vector.broadcast %jit3A_509 : i32 to vector<16xi32>
      %broadcast_in_dim3A_512 = vector.broadcast %jit3A_510 : i32 to vector<16xi32>
      %select_n3A_513 = arith.select %and3A_499, %broadcast_in_dim3A_511, %broadcast_in_dim3A_512 : vector<16xi1>, vector<16xi32>
      %swap3A_514 = arith.index_cast %add3A_250 : i32 to index
      %swap3A_515 = arith.constant 112 : index
      %swap3A_516 = tpu.vector_load %arg8[%swap3A_514, %swap3A_515] {strides = array<i32>} : memref<4x128xi32, #tpu.memory_space<vmem>>, vector<1x16xi32>,
      %swap3A_517 = vector.shape_cast %swap3A_516 : vector<1x16xi32> to vector<16xi32>
      %swap3A_518 = vector.shape_cast %select_n3A_513 : vector<16xi32> to vector<1x16xi32>
      tpu.vector_store %arg8[%swap3A_514, %swap3A_515], %swap3A_518 {strides = array<i32>} : memref<4x128xi32, #tpu.memory_space<vmem>>, vector<1x16xi32>,
      %dma_start3A_519 = arith.constant 0 : i32
      %dma_start3A_520 = tpu.memref_slice %arg8[%add3A_250, %dma_start3A_519] : memref<4x128xi32, #tpu.memory_space<vmem>> -> memref<1x128xi32, #tpu.memory_space<vmem>>
      %dma_start3A_521 = tpu.memref_squeeze %dma_start3A_520 : memref<1x128xi32, #tpu.memory_space<vmem>> -> memref<128xi32, #tpu.memory_space<vmem>>
      %dma_start3A_522 = arith.constant 0 : i32
      %dma_start3A_523 = tpu.memref_slice %arg7[%add3A_250, %dma_start3A_522] : memref<4x128xi32, #tpu.memory_space<vmem>> -> memref<1x128xi32, #tpu.memory_space<vmem>>
      %dma_start3A_524 = tpu.memref_squeeze %dma_start3A_523 : memref<1x128xi32, #tpu.memory_space<vmem>> -> memref<128xi32, #tpu.memory_space<vmem>>
      %dma_start3A_525 = arith.constant 0 : i32
      %dma_start3A_526 = tpu.memref_slice %arg4[%dma_start3A_525] : memref<2064384xi32, #tpu.memory_space<vmem_shared>> -> memref<2064384xi32, #tpu.memory_space<vmem_shared>>
      tpu.enqueue_indirect_dma source(%dma_start3A_521 : memref<128xi32, #tpu.memory_space<vmem>>) target(%dma_start3A_526 : memref<2064384xi32, #tpu.memory_space<vmem_shared>>) offsets(%dma_start3A_524 : memref<128xi32, #tpu.memory_space<vmem>>) semaphore(%arg10 : memref<!tpu.dma_semaphore, #tpu.memory_space<semaphore_mem>>) {add = true}
      %mul3A_527 = arith.constant 2 : i32
      %mul3A_528 = arith.muli %rem3A_222, %mul3A_527 : i32
      %add3A_529 = arith.constant 1 : i32
      %add3A_530 = arith.addi %mul3A_528, %add3A_529 : i32
      %get3A_531 = arith.index_cast %rem3A_222 : i32 to index
      %get3A_532 = arith.constant 128 : index
      %get3A_533 = tpu.vector_load %arg6[%get3A_531, %get3A_532] {strides = array<i32>} : memref<2x256xi32, #tpu.memory_space<vmem>>, vector<1x16xi32>,
      %get3A_534 = vector.shape_cast %get3A_533 : vector<1x16xi32> to vector<16xi32>
      %add3A_535 = arith.constant 128 : i32
      %add3A_536 = arith.addi %add3A_227, %add3A_535 : i32
      %add3A_537 = vector.broadcast %add3A_536 : i32 to vector<16xi32>
      %add3A_538 = arith.addi %add3A_537, %iota3A : vector<16xi32>
      %lt3A_539 = arith.constant 1999996 : i32
      %lt3A_540 = vector.broadcast %lt3A_539 : i32 to vector<16xi32>
      %lt3A_541 = arith.cmpi slt, %add3A_538, %lt3A_540 : vector<16xi32>
      %lt3A_542 = arith.constant 2064384 : i32
      %lt3A_543 = vector.broadcast %lt3A_542 : i32 to vector<16xi32>
      %lt3A_544 = arith.cmpi slt, %get3A_534, %lt3A_543 : vector<16xi32>
      %and3A_545 = arith.andi %lt3A_541, %lt3A_544 : vector<16xi1>
      %add3A_546 = arith.constant 128 : i32
      %add3A_547 = vector.broadcast %add3A_546 : i32 to vector<16xi32>
      %add3A_548 = arith.addi %add3A_547, %iota3A : vector<16xi32>
      %select_n3A_549 = arith.select %and3A_545, %get3A_534, %add3A_548 : vector<16xi1>, vector<16xi32>
      %swap3A_550 = arith.index_cast %add3A_530 : i32 to index
      %swap3A_551 = arith.constant 0 : index
      %swap3A_552 = tpu.vector_load %arg7[%swap3A_550, %swap3A_551] {strides = array<i32>} : memref<4x128xi32, #tpu.memory_space<vmem>>, vector<1x16xi32>,
      %swap3A_553 = vector.shape_cast %swap3A_552 : vector<1x16xi32> to vector<16xi32>
      %swap3A_554 = vector.shape_cast %select_n3A_549 : vector<16xi32> to vector<1x16xi32>
      tpu.vector_store %arg7[%swap3A_550, %swap3A_551], %swap3A_554 {strides = array<i32>} : memref<4x128xi32, #tpu.memory_space<vmem>>, vector<1x16xi32>,
      %jit3A_555 = arith.constant 1 : i32
      %jit3A_556 = arith.constant 0 : i32
      %broadcast_in_dim3A_557 = vector.broadcast %jit3A_555 : i32 to vector<16xi32>
      %broadcast_in_dim3A_558 = vector.broadcast %jit3A_556 : i32 to vector<16xi32>
      %select_n3A_559 = arith.select %and3A_545, %broadcast_in_dim3A_557, %broadcast_in_dim3A_558 : vector<16xi1>, vector<16xi32>
      %swap3A_560 = arith.index_cast %add3A_530 : i32 to index
      %swap3A_561 = arith.constant 0 : index
      %swap3A_562 = tpu.vector_load %arg8[%swap3A_560, %swap3A_561] {strides = array<i32>} : memref<4x128xi32, #tpu.memory_space<vmem>>, vector<1x16xi32>,
      %swap3A_563 = vector.shape_cast %swap3A_562 : vector<1x16xi32> to vector<16xi32>
      %swap3A_564 = vector.shape_cast %select_n3A_559 : vector<16xi32> to vector<1x16xi32>
      tpu.vector_store %arg8[%swap3A_560, %swap3A_561], %swap3A_564 {strides = array<i32>} : memref<4x128xi32, #tpu.memory_space<vmem>>, vector<1x16xi32>,
      %get3A_565 = arith.index_cast %rem3A_222 : i32 to index
      %get3A_566 = arith.constant 144 : index
      %get3A_567 = tpu.vector_load %arg6[%get3A_565, %get3A_566] {strides = array<i32>} : memref<2x256xi32, #tpu.memory_space<vmem>>, vector<1x16xi32>,
      %get3A_568 = vector.shape_cast %get3A_567 : vector<1x16xi32> to vector<16xi32>
      %add3A_569 = arith.constant 144 : i32
      %add3A_570 = arith.addi %add3A_227, %add3A_569 : i32
      %add3A_571 = vector.broadcast %add3A_570 : i32 to vector<16xi32>
      %add3A_572 = arith.addi %add3A_571, %iota3A : vector<16xi32>
      %lt3A_573 = arith.constant 1999996 : i32
      %lt3A_574 = vector.broadcast %lt3A_573 : i32 to vector<16xi32>
      %lt3A_575 = arith.cmpi slt, %add3A_572, %lt3A_574 : vector<16xi32>
      %lt3A_576 = arith.constant 2064384 : i32
      %lt3A_577 = vector.broadcast %lt3A_576 : i32 to vector<16xi32>
      %lt3A_578 = arith.cmpi slt, %get3A_568, %lt3A_577 : vector<16xi32>
      %and3A_579 = arith.andi %lt3A_575, %lt3A_578 : vector<16xi1>
      %add3A_580 = arith.constant 144 : i32
      %add3A_581 = vector.broadcast %add3A_580 : i32 to vector<16xi32>
      %add3A_582 = arith.addi %add3A_581, %iota3A : vector<16xi32>
      %select_n3A_583 = arith.select %and3A_579, %get3A_568, %add3A_582 : vector<16xi1>, vector<16xi32>
      %swap3A_584 = arith.index_cast %add3A_530 : i32 to index
      %swap3A_585 = arith.constant 16 : index
      %swap3A_586 = tpu.vector_load %arg7[%swap3A_584, %swap3A_585] {strides = array<i32>} : memref<4x128xi32, #tpu.memory_space<vmem>>, vector<1x16xi32>,
      %swap3A_587 = vector.shape_cast %swap3A_586 : vector<1x16xi32> to vector<16xi32>
      %swap3A_588 = vector.shape_cast %select_n3A_583 : vector<16xi32> to vector<1x16xi32>
      tpu.vector_store %arg7[%swap3A_584, %swap3A_585], %swap3A_588 {strides = array<i32>} : memref<4x128xi32, #tpu.memory_space<vmem>>, vector<1x16xi32>,
      %jit3A_589 = arith.constant 1 : i32
      %jit3A_590 = arith.constant 0 : i32
      %broadcast_in_dim3A_591 = vector.broadcast %jit3A_589 : i32 to vector<16xi32>
      %broadcast_in_dim3A_592 = vector.broadcast %jit3A_590 : i32 to vector<16xi32>
      %select_n3A_593 = arith.select %and3A_579, %broadcast_in_dim3A_591, %broadcast_in_dim3A_592 : vector<16xi1>, vector<16xi32>
      %swap3A_594 = arith.index_cast %add3A_530 : i32 to index
      %swap3A_595 = arith.constant 16 : index
      %swap3A_596 = tpu.vector_load %arg8[%swap3A_594, %swap3A_595] {strides = array<i32>} : memref<4x128xi32, #tpu.memory_space<vmem>>, vector<1x16xi32>,
      %swap3A_597 = vector.shape_cast %swap3A_596 : vector<1x16xi32> to vector<16xi32>
      %swap3A_598 = vector.shape_cast %select_n3A_593 : vector<16xi32> to vector<1x16xi32>
      tpu.vector_store %arg8[%swap3A_594, %swap3A_595], %swap3A_598 {strides = array<i32>} : memref<4x128xi32, #tpu.memory_space<vmem>>, vector<1x16xi32>,
      %get3A_599 = arith.index_cast %rem3A_222 : i32 to index
      %get3A_600 = arith.constant 160 : index
      %get3A_601 = tpu.vector_load %arg6[%get3A_599, %get3A_600] {strides = array<i32>} : memref<2x256xi32, #tpu.memory_space<vmem>>, vector<1x16xi32>,
      %get3A_602 = vector.shape_cast %get3A_601 : vector<1x16xi32> to vector<16xi32>
      %add3A_603 = arith.constant 160 : i32
      %add3A_604 = arith.addi %add3A_227, %add3A_603 : i32
      %add3A_605 = vector.broadcast %add3A_604 : i32 to vector<16xi32>
      %add3A_606 = arith.addi %add3A_605, %iota3A : vector<16xi32>
      %lt3A_607 = arith.constant 1999996 : i32
      %lt3A_608 = vector.broadcast %lt3A_607 : i32 to vector<16xi32>
      %lt3A_609 = arith.cmpi slt, %add3A_606, %lt3A_608 : vector<16xi32>
      %lt3A_610 = arith.constant 2064384 : i32
      %lt3A_611 = vector.broadcast %lt3A_610 : i32 to vector<16xi32>
      %lt3A_612 = arith.cmpi slt, %get3A_602, %lt3A_611 : vector<16xi32>
      %and3A_613 = arith.andi %lt3A_609, %lt3A_612 : vector<16xi1>
      %add3A_614 = arith.constant 160 : i32
      %add3A_615 = vector.broadcast %add3A_614 : i32 to vector<16xi32>
      %add3A_616 = arith.addi %add3A_615, %iota3A : vector<16xi32>
      %select_n3A_617 = arith.select %and3A_613, %get3A_602, %add3A_616 : vector<16xi1>, vector<16xi32>
      %swap3A_618 = arith.index_cast %add3A_530 : i32 to index
      %swap3A_619 = arith.constant 32 : index
      %swap3A_620 = tpu.vector_load %arg7[%swap3A_618, %swap3A_619] {strides = array<i32>} : memref<4x128xi32, #tpu.memory_space<vmem>>, vector<1x16xi32>,
      %swap3A_621 = vector.shape_cast %swap3A_620 : vector<1x16xi32> to vector<16xi32>
      %swap3A_622 = vector.shape_cast %select_n3A_617 : vector<16xi32> to vector<1x16xi32>
      tpu.vector_store %arg7[%swap3A_618, %swap3A_619], %swap3A_622 {strides = array<i32>} : memref<4x128xi32, #tpu.memory_space<vmem>>, vector<1x16xi32>,
      %jit3A_623 = arith.constant 1 : i32
      %jit3A_624 = arith.constant 0 : i32
      %broadcast_in_dim3A_625 = vector.broadcast %jit3A_623 : i32 to vector<16xi32>
      %broadcast_in_dim3A_626 = vector.broadcast %jit3A_624 : i32 to vector<16xi32>
      %select_n3A_627 = arith.select %and3A_613, %broadcast_in_dim3A_625, %broadcast_in_dim3A_626 : vector<16xi1>, vector<16xi32>
      %swap3A_628 = arith.index_cast %add3A_530 : i32 to index
      %swap3A_629 = arith.constant 32 : index
      %swap3A_630 = tpu.vector_load %arg8[%swap3A_628, %swap3A_629] {strides = array<i32>} : memref<4x128xi32, #tpu.memory_space<vmem>>, vector<1x16xi32>,
      %swap3A_631 = vector.shape_cast %swap3A_630 : vector<1x16xi32> to vector<16xi32>
      %swap3A_632 = vector.shape_cast %select_n3A_627 : vector<16xi32> to vector<1x16xi32>
      tpu.vector_store %arg8[%swap3A_628, %swap3A_629], %swap3A_632 {strides = array<i32>} : memref<4x128xi32, #tpu.memory_space<vmem>>, vector<1x16xi32>,
      %get3A_633 = arith.index_cast %rem3A_222 : i32 to index
      %get3A_634 = arith.constant 176 : index
      %get3A_635 = tpu.vector_load %arg6[%get3A_633, %get3A_634] {strides = array<i32>} : memref<2x256xi32, #tpu.memory_space<vmem>>, vector<1x16xi32>,
      %get3A_636 = vector.shape_cast %get3A_635 : vector<1x16xi32> to vector<16xi32>
      %add3A_637 = arith.constant 176 : i32
      %add3A_638 = arith.addi %add3A_227, %add3A_637 : i32
      %add3A_639 = vector.broadcast %add3A_638 : i32 to vector<16xi32>
      %add3A_640 = arith.addi %add3A_639, %iota3A : vector<16xi32>
      %lt3A_641 = arith.constant 1999996 : i32
      %lt3A_642 = vector.broadcast %lt3A_641 : i32 to vector<16xi32>
      %lt3A_643 = arith.cmpi slt, %add3A_640, %lt3A_642 : vector<16xi32>
      %lt3A_644 = arith.constant 2064384 : i32
      %lt3A_645 = vector.broadcast %lt3A_644 : i32 to vector<16xi32>
      %lt3A_646 = arith.cmpi slt, %get3A_636, %lt3A_645 : vector<16xi32>
      %and3A_647 = arith.andi %lt3A_643, %lt3A_646 : vector<16xi1>
      %add3A_648 = arith.constant 176 : i32
      %add3A_649 = vector.broadcast %add3A_648 : i32 to vector<16xi32>
      %add3A_650 = arith.addi %add3A_649, %iota3A : vector<16xi32>
      %select_n3A_651 = arith.select %and3A_647, %get3A_636, %add3A_650 : vector<16xi1>, vector<16xi32>
      %swap3A_652 = arith.index_cast %add3A_530 : i32 to index
      %swap3A_653 = arith.constant 48 : index
      %swap3A_654 = tpu.vector_load %arg7[%swap3A_652, %swap3A_653] {strides = array<i32>} : memref<4x128xi32, #tpu.memory_space<vmem>>, vector<1x16xi32>,
      %swap3A_655 = vector.shape_cast %swap3A_654 : vector<1x16xi32> to vector<16xi32>
      %swap3A_656 = vector.shape_cast %select_n3A_651 : vector<16xi32> to vector<1x16xi32>
      tpu.vector_store %arg7[%swap3A_652, %swap3A_653], %swap3A_656 {strides = array<i32>} : memref<4x128xi32, #tpu.memory_space<vmem>>, vector<1x16xi32>,
      %jit3A_657 = arith.constant 1 : i32
      %jit3A_658 = arith.constant 0 : i32
      %broadcast_in_dim3A_659 = vector.broadcast %jit3A_657 : i32 to vector<16xi32>
      %broadcast_in_dim3A_660 = vector.broadcast %jit3A_658 : i32 to vector<16xi32>
      %select_n3A_661 = arith.select %and3A_647, %broadcast_in_dim3A_659, %broadcast_in_dim3A_660 : vector<16xi1>, vector<16xi32>
      %swap3A_662 = arith.index_cast %add3A_530 : i32 to index
      %swap3A_663 = arith.constant 48 : index
      %swap3A_664 = tpu.vector_load %arg8[%swap3A_662, %swap3A_663] {strides = array<i32>} : memref<4x128xi32, #tpu.memory_space<vmem>>, vector<1x16xi32>,
      %swap3A_665 = vector.shape_cast %swap3A_664 : vector<1x16xi32> to vector<16xi32>
      %swap3A_666 = vector.shape_cast %select_n3A_661 : vector<16xi32> to vector<1x16xi32>
      tpu.vector_store %arg8[%swap3A_662, %swap3A_663], %swap3A_666 {strides = array<i32>} : memref<4x128xi32, #tpu.memory_space<vmem>>, vector<1x16xi32>,
      %get3A_667 = arith.index_cast %rem3A_222 : i32 to index
      %get3A_668 = arith.constant 192 : index
      %get3A_669 = tpu.vector_load %arg6[%get3A_667, %get3A_668] {strides = array<i32>} : memref<2x256xi32, #tpu.memory_space<vmem>>, vector<1x16xi32>,
      %get3A_670 = vector.shape_cast %get3A_669 : vector<1x16xi32> to vector<16xi32>
      %add3A_671 = arith.constant 192 : i32
      %add3A_672 = arith.addi %add3A_227, %add3A_671 : i32
      %add3A_673 = vector.broadcast %add3A_672 : i32 to vector<16xi32>
      %add3A_674 = arith.addi %add3A_673, %iota3A : vector<16xi32>
      %lt3A_675 = arith.constant 1999996 : i32
      %lt3A_676 = vector.broadcast %lt3A_675 : i32 to vector<16xi32>
      %lt3A_677 = arith.cmpi slt, %add3A_674, %lt3A_676 : vector<16xi32>
      %lt3A_678 = arith.constant 2064384 : i32
      %lt3A_679 = vector.broadcast %lt3A_678 : i32 to vector<16xi32>
      %lt3A_680 = arith.cmpi slt, %get3A_670, %lt3A_679 : vector<16xi32>
      %and3A_681 = arith.andi %lt3A_677, %lt3A_680 : vector<16xi1>
      %add3A_682 = arith.constant 192 : i32
      %add3A_683 = vector.broadcast %add3A_682 : i32 to vector<16xi32>
      %add3A_684 = arith.addi %add3A_683, %iota3A : vector<16xi32>
      %select_n3A_685 = arith.select %and3A_681, %get3A_670, %add3A_684 : vector<16xi1>, vector<16xi32>
      %swap3A_686 = arith.index_cast %add3A_530 : i32 to index
      %swap3A_687 = arith.constant 64 : index
      %swap3A_688 = tpu.vector_load %arg7[%swap3A_686, %swap3A_687] {strides = array<i32>} : memref<4x128xi32, #tpu.memory_space<vmem>>, vector<1x16xi32>,
      %swap3A_689 = vector.shape_cast %swap3A_688 : vector<1x16xi32> to vector<16xi32>
      %swap3A_690 = vector.shape_cast %select_n3A_685 : vector<16xi32> to vector<1x16xi32>
      tpu.vector_store %arg7[%swap3A_686, %swap3A_687], %swap3A_690 {strides = array<i32>} : memref<4x128xi32, #tpu.memory_space<vmem>>, vector<1x16xi32>,
      %jit3A_691 = arith.constant 1 : i32
      %jit3A_692 = arith.constant 0 : i32
      %broadcast_in_dim3A_693 = vector.broadcast %jit3A_691 : i32 to vector<16xi32>
      %broadcast_in_dim3A_694 = vector.broadcast %jit3A_692 : i32 to vector<16xi32>
      %select_n3A_695 = arith.select %and3A_681, %broadcast_in_dim3A_693, %broadcast_in_dim3A_694 : vector<16xi1>, vector<16xi32>
      %swap3A_696 = arith.index_cast %add3A_530 : i32 to index
      %swap3A_697 = arith.constant 64 : index
      %swap3A_698 = tpu.vector_load %arg8[%swap3A_696, %swap3A_697] {strides = array<i32>} : memref<4x128xi32, #tpu.memory_space<vmem>>, vector<1x16xi32>,
      %swap3A_699 = vector.shape_cast %swap3A_698 : vector<1x16xi32> to vector<16xi32>
      %swap3A_700 = vector.shape_cast %select_n3A_695 : vector<16xi32> to vector<1x16xi32>
      tpu.vector_store %arg8[%swap3A_696, %swap3A_697], %swap3A_700 {strides = array<i32>} : memref<4x128xi32, #tpu.memory_space<vmem>>, vector<1x16xi32>,
      %get3A_701 = arith.index_cast %rem3A_222 : i32 to index
      %get3A_702 = arith.constant 208 : index
      %get3A_703 = tpu.vector_load %arg6[%get3A_701, %get3A_702] {strides = array<i32>} : memref<2x256xi32, #tpu.memory_space<vmem>>, vector<1x16xi32>,
      %get3A_704 = vector.shape_cast %get3A_703 : vector<1x16xi32> to vector<16xi32>
      %add3A_705 = arith.constant 208 : i32
      %add3A_706 = arith.addi %add3A_227, %add3A_705 : i32
      %add3A_707 = vector.broadcast %add3A_706 : i32 to vector<16xi32>
      %add3A_708 = arith.addi %add3A_707, %iota3A : vector<16xi32>
      %lt3A_709 = arith.constant 1999996 : i32
      %lt3A_710 = vector.broadcast %lt3A_709 : i32 to vector<16xi32>
      %lt3A_711 = arith.cmpi slt, %add3A_708, %lt3A_710 : vector<16xi32>
      %lt3A_712 = arith.constant 2064384 : i32
      %lt3A_713 = vector.broadcast %lt3A_712 : i32 to vector<16xi32>
      %lt3A_714 = arith.cmpi slt, %get3A_704, %lt3A_713 : vector<16xi32>
      %and3A_715 = arith.andi %lt3A_711, %lt3A_714 : vector<16xi1>
      %add3A_716 = arith.constant 208 : i32
      %add3A_717 = vector.broadcast %add3A_716 : i32 to vector<16xi32>
      %add3A_718 = arith.addi %add3A_717, %iota3A : vector<16xi32>
      %select_n3A_719 = arith.select %and3A_715, %get3A_704, %add3A_718 : vector<16xi1>, vector<16xi32>
      %swap3A_720 = arith.index_cast %add3A_530 : i32 to index
      %swap3A_721 = arith.constant 80 : index
      %swap3A_722 = tpu.vector_load %arg7[%swap3A_720, %swap3A_721] {strides = array<i32>} : memref<4x128xi32, #tpu.memory_space<vmem>>, vector<1x16xi32>,
      %swap3A_723 = vector.shape_cast %swap3A_722 : vector<1x16xi32> to vector<16xi32>
      %swap3A_724 = vector.shape_cast %select_n3A_719 : vector<16xi32> to vector<1x16xi32>
      tpu.vector_store %arg7[%swap3A_720, %swap3A_721], %swap3A_724 {strides = array<i32>} : memref<4x128xi32, #tpu.memory_space<vmem>>, vector<1x16xi32>,
      %jit3A_725 = arith.constant 1 : i32
      %jit3A_726 = arith.constant 0 : i32
      %broadcast_in_dim3A_727 = vector.broadcast %jit3A_725 : i32 to vector<16xi32>
      %broadcast_in_dim3A_728 = vector.broadcast %jit3A_726 : i32 to vector<16xi32>
      %select_n3A_729 = arith.select %and3A_715, %broadcast_in_dim3A_727, %broadcast_in_dim3A_728 : vector<16xi1>, vector<16xi32>
      %swap3A_730 = arith.index_cast %add3A_530 : i32 to index
      %swap3A_731 = arith.constant 80 : index
      %swap3A_732 = tpu.vector_load %arg8[%swap3A_730, %swap3A_731] {strides = array<i32>} : memref<4x128xi32, #tpu.memory_space<vmem>>, vector<1x16xi32>,
      %swap3A_733 = vector.shape_cast %swap3A_732 : vector<1x16xi32> to vector<16xi32>
      %swap3A_734 = vector.shape_cast %select_n3A_729 : vector<16xi32> to vector<1x16xi32>
      tpu.vector_store %arg8[%swap3A_730, %swap3A_731], %swap3A_734 {strides = array<i32>} : memref<4x128xi32, #tpu.memory_space<vmem>>, vector<1x16xi32>,
      %get3A_735 = arith.index_cast %rem3A_222 : i32 to index
      %get3A_736 = arith.constant 224 : index
      %get3A_737 = tpu.vector_load %arg6[%get3A_735, %get3A_736] {strides = array<i32>} : memref<2x256xi32, #tpu.memory_space<vmem>>, vector<1x16xi32>,
      %get3A_738 = vector.shape_cast %get3A_737 : vector<1x16xi32> to vector<16xi32>
      %add3A_739 = arith.constant 224 : i32
      %add3A_740 = arith.addi %add3A_227, %add3A_739 : i32
      %add3A_741 = vector.broadcast %add3A_740 : i32 to vector<16xi32>
      %add3A_742 = arith.addi %add3A_741, %iota3A : vector<16xi32>
      %lt3A_743 = arith.constant 1999996 : i32
      %lt3A_744 = vector.broadcast %lt3A_743 : i32 to vector<16xi32>
      %lt3A_745 = arith.cmpi slt, %add3A_742, %lt3A_744 : vector<16xi32>
      %lt3A_746 = arith.constant 2064384 : i32
      %lt3A_747 = vector.broadcast %lt3A_746 : i32 to vector<16xi32>
      %lt3A_748 = arith.cmpi slt, %get3A_738, %lt3A_747 : vector<16xi32>
      %and3A_749 = arith.andi %lt3A_745, %lt3A_748 : vector<16xi1>
      %add3A_750 = arith.constant 224 : i32
      %add3A_751 = vector.broadcast %add3A_750 : i32 to vector<16xi32>
      %add3A_752 = arith.addi %add3A_751, %iota3A : vector<16xi32>
      %select_n3A_753 = arith.select %and3A_749, %get3A_738, %add3A_752 : vector<16xi1>, vector<16xi32>
      %swap3A_754 = arith.index_cast %add3A_530 : i32 to index
      %swap3A_755 = arith.constant 96 : index
      %swap3A_756 = tpu.vector_load %arg7[%swap3A_754, %swap3A_755] {strides = array<i32>} : memref<4x128xi32, #tpu.memory_space<vmem>>, vector<1x16xi32>,
      %swap3A_757 = vector.shape_cast %swap3A_756 : vector<1x16xi32> to vector<16xi32>
      %swap3A_758 = vector.shape_cast %select_n3A_753 : vector<16xi32> to vector<1x16xi32>
      tpu.vector_store %arg7[%swap3A_754, %swap3A_755], %swap3A_758 {strides = array<i32>} : memref<4x128xi32, #tpu.memory_space<vmem>>, vector<1x16xi32>,
      %jit3A_759 = arith.constant 1 : i32
      %jit3A_760 = arith.constant 0 : i32
      %broadcast_in_dim3A_761 = vector.broadcast %jit3A_759 : i32 to vector<16xi32>
      %broadcast_in_dim3A_762 = vector.broadcast %jit3A_760 : i32 to vector<16xi32>
      %select_n3A_763 = arith.select %and3A_749, %broadcast_in_dim3A_761, %broadcast_in_dim3A_762 : vector<16xi1>, vector<16xi32>
      %swap3A_764 = arith.index_cast %add3A_530 : i32 to index
      %swap3A_765 = arith.constant 96 : index
      %swap3A_766 = tpu.vector_load %arg8[%swap3A_764, %swap3A_765] {strides = array<i32>} : memref<4x128xi32, #tpu.memory_space<vmem>>, vector<1x16xi32>,
      %swap3A_767 = vector.shape_cast %swap3A_766 : vector<1x16xi32> to vector<16xi32>
      %swap3A_768 = vector.shape_cast %select_n3A_763 : vector<16xi32> to vector<1x16xi32>
      tpu.vector_store %arg8[%swap3A_764, %swap3A_765], %swap3A_768 {strides = array<i32>} : memref<4x128xi32, #tpu.memory_space<vmem>>, vector<1x16xi32>,
      %get3A_769 = arith.index_cast %rem3A_222 : i32 to index
      %get3A_770 = arith.constant 240 : index
      %get3A_771 = tpu.vector_load %arg6[%get3A_769, %get3A_770] {strides = array<i32>} : memref<2x256xi32, #tpu.memory_space<vmem>>, vector<1x16xi32>,
      %get3A_772 = vector.shape_cast %get3A_771 : vector<1x16xi32> to vector<16xi32>
      %add3A_773 = arith.constant 240 : i32
      %add3A_774 = arith.addi %add3A_227, %add3A_773 : i32
      %add3A_775 = vector.broadcast %add3A_774 : i32 to vector<16xi32>
      %add3A_776 = arith.addi %add3A_775, %iota3A : vector<16xi32>
      %lt3A_777 = arith.constant 1999996 : i32
      %lt3A_778 = vector.broadcast %lt3A_777 : i32 to vector<16xi32>
      %lt3A_779 = arith.cmpi slt, %add3A_776, %lt3A_778 : vector<16xi32>
      %lt3A_780 = arith.constant 2064384 : i32
      %lt3A_781 = vector.broadcast %lt3A_780 : i32 to vector<16xi32>
      %lt3A_782 = arith.cmpi slt, %get3A_772, %lt3A_781 : vector<16xi32>
      %and3A_783 = arith.andi %lt3A_779, %lt3A_782 : vector<16xi1>
      %add3A_784 = arith.constant 240 : i32
      %add3A_785 = vector.broadcast %add3A_784 : i32 to vector<16xi32>
      %add3A_786 = arith.addi %add3A_785, %iota3A : vector<16xi32>
      %select_n3A_787 = arith.select %and3A_783, %get3A_772, %add3A_786 : vector<16xi1>, vector<16xi32>
      %swap3A_788 = arith.index_cast %add3A_530 : i32 to index
      %swap3A_789 = arith.constant 112 : index
      %swap3A_790 = tpu.vector_load %arg7[%swap3A_788, %swap3A_789] {strides = array<i32>} : memref<4x128xi32, #tpu.memory_space<vmem>>, vector<1x16xi32>,
      %swap3A_791 = vector.shape_cast %swap3A_790 : vector<1x16xi32> to vector<16xi32>
      %swap3A_792 = vector.shape_cast %select_n3A_787 : vector<16xi32> to vector<1x16xi32>
      tpu.vector_store %arg7[%swap3A_788, %swap3A_789], %swap3A_792 {strides = array<i32>} : memref<4x128xi32, #tpu.memory_space<vmem>>, vector<1x16xi32>,
      %jit3A_793 = arith.constant 1 : i32
      %jit3A_794 = arith.constant 0 : i32
      %broadcast_in_dim3A_795 = vector.broadcast %jit3A_793 : i32 to vector<16xi32>
      %broadcast_in_dim3A_796 = vector.broadcast %jit3A_794 : i32 to vector<16xi32>
      %select_n3A_797 = arith.select %and3A_783, %broadcast_in_dim3A_795, %broadcast_in_dim3A_796 : vector<16xi1>, vector<16xi32>
      %swap3A_798 = arith.index_cast %add3A_530 : i32 to index
      %swap3A_799 = arith.constant 112 : index
      %swap3A_800 = tpu.vector_load %arg8[%swap3A_798, %swap3A_799] {strides = array<i32>} : memref<4x128xi32, #tpu.memory_space<vmem>>, vector<1x16xi32>,
      %swap3A_801 = vector.shape_cast %swap3A_800 : vector<1x16xi32> to vector<16xi32>
      %swap3A_802 = vector.shape_cast %select_n3A_797 : vector<16xi32> to vector<1x16xi32>
      tpu.vector_store %arg8[%swap3A_798, %swap3A_799], %swap3A_802 {strides = array<i32>} : memref<4x128xi32, #tpu.memory_space<vmem>>, vector<1x16xi32>,
      %dma_start3A_803 = arith.constant 0 : i32
      %dma_start3A_804 = tpu.memref_slice %arg8[%add3A_530, %dma_start3A_803] : memref<4x128xi32, #tpu.memory_space<vmem>> -> memref<1x128xi32, #tpu.memory_space<vmem>>
      %dma_start3A_805 = tpu.memref_squeeze %dma_start3A_804 : memref<1x128xi32, #tpu.memory_space<vmem>> -> memref<128xi32, #tpu.memory_space<vmem>>
      %dma_start3A_806 = arith.constant 0 : i32
      %dma_start3A_807 = tpu.memref_slice %arg7[%add3A_530, %dma_start3A_806] : memref<4x128xi32, #tpu.memory_space<vmem>> -> memref<1x128xi32, #tpu.memory_space<vmem>>
      %dma_start3A_808 = tpu.memref_squeeze %dma_start3A_807 : memref<1x128xi32, #tpu.memory_space<vmem>> -> memref<128xi32, #tpu.memory_space<vmem>>
      %dma_start3A_809 = arith.constant 0 : i32
      %dma_start3A_810 = tpu.memref_slice %arg4[%dma_start3A_809] : memref<2064384xi32, #tpu.memory_space<vmem_shared>> -> memref<2064384xi32, #tpu.memory_space<vmem_shared>>
      tpu.enqueue_indirect_dma source(%dma_start3A_805 : memref<128xi32, #tpu.memory_space<vmem>>) target(%dma_start3A_810 : memref<2064384xi32, #tpu.memory_space<vmem_shared>>) offsets(%dma_start3A_808 : memref<128xi32, #tpu.memory_space<vmem>>) semaphore(%arg10 : memref<!tpu.dma_semaphore, #tpu.memory_space<semaphore_mem>>) {add = true}
      %scan3A_811 = arith.constant 0 : i32
      scf.yield %scan3A_811 : i32
    }
    %scan3A_174 = arith.constant 512 : i32
    %dma_wait3A = arith.constant 0 : i32
    %dma_wait3A_175 = arith.constant 0 : i32
    %dma_wait3A_176 = arith.constant 0 : i32
    %dma_wait3A_177 = tpu.memref_slice %arg8[%dma_wait3A, %dma_wait3A_176] : memref<4x128xi32, #tpu.memory_space<vmem>> -> memref<1x128xi32, #tpu.memory_space<vmem>>
    %dma_wait3A_178 = tpu.memref_squeeze %dma_wait3A_177 : memref<1x128xi32, #tpu.memory_space<vmem>> -> memref<128xi32, #tpu.memory_space<vmem>>
    %dma_wait3A_179 = arith.constant 0 : i32
    %dma_wait3A_180 = tpu.memref_slice %arg7[%dma_wait3A_175, %dma_wait3A_179] : memref<4x128xi32, #tpu.memory_space<vmem>> -> memref<1x128xi32, #tpu.memory_space<vmem>>
    %dma_wait3A_181 = tpu.memref_squeeze %dma_wait3A_180 : memref<1x128xi32, #tpu.memory_space<vmem>> -> memref<128xi32, #tpu.memory_space<vmem>>
    %dma_wait3A_182 = arith.constant 0 : i32
    %dma_wait3A_183 = tpu.memref_slice %arg4[%dma_wait3A_182] : memref<2064384xi32, #tpu.memory_space<vmem_shared>> -> memref<2064384xi32, #tpu.memory_space<vmem_shared>>
    tpu.wait_indirect_dma semaphore(%arg10 : memref<!tpu.dma_semaphore, #tpu.memory_space<semaphore_mem>>) src(%dma_wait3A_178 : memref<128xi32, #tpu.memory_space<vmem>>) dst(%dma_wait3A_183 : memref<2064384xi32, #tpu.memory_space<vmem_shared>>)
    %dma_wait3A_184 = arith.constant 1 : i32
    %dma_wait3A_185 = arith.constant 1 : i32
    %dma_wait3A_186 = arith.constant 0 : i32
    %dma_wait3A_187 = tpu.memref_slice %arg8[%dma_wait3A_184, %dma_wait3A_186] : memref<4x128xi32, #tpu.memory_space<vmem>> -> memref<1x128xi32, #tpu.memory_space<vmem>>
    %dma_wait3A_188 = tpu.memref_squeeze %dma_wait3A_187 : memref<1x128xi32, #tpu.memory_space<vmem>> -> memref<128xi32, #tpu.memory_space<vmem>>
    %dma_wait3A_189 = arith.constant 0 : i32
    %dma_wait3A_190 = tpu.memref_slice %arg7[%dma_wait3A_185, %dma_wait3A_189] : memref<4x128xi32, #tpu.memory_space<vmem>> -> memref<1x128xi32, #tpu.memory_space<vmem>>
    %dma_wait3A_191 = tpu.memref_squeeze %dma_wait3A_190 : memref<1x128xi32, #tpu.memory_space<vmem>> -> memref<128xi32, #tpu.memory_space<vmem>>
    %dma_wait3A_192 = arith.constant 0 : i32
    %dma_wait3A_193 = tpu.memref_slice %arg4[%dma_wait3A_192] : memref<2064384xi32, #tpu.memory_space<vmem_shared>> -> memref<2064384xi32, #tpu.memory_space<vmem_shared>>
    tpu.wait_indirect_dma semaphore(%arg10 : memref<!tpu.dma_semaphore, #tpu.memory_space<semaphore_mem>>) src(%dma_wait3A_188 : memref<128xi32, #tpu.memory_space<vmem>>) dst(%dma_wait3A_193 : memref<2064384xi32, #tpu.memory_space<vmem_shared>>)
    %dma_wait3A_194 = arith.constant 2 : i32
    %dma_wait3A_195 = arith.constant 2 : i32
    %dma_wait3A_196 = arith.constant 0 : i32
    %dma_wait3A_197 = tpu.memref_slice %arg8[%dma_wait3A_194, %dma_wait3A_196] : memref<4x128xi32, #tpu.memory_space<vmem>> -> memref<1x128xi32, #tpu.memory_space<vmem>>
    %dma_wait3A_198 = tpu.memref_squeeze %dma_wait3A_197 : memref<1x128xi32, #tpu.memory_space<vmem>> -> memref<128xi32, #tpu.memory_space<vmem>>
    %dma_wait3A_199 = arith.constant 0 : i32
    %dma_wait3A_200 = tpu.memref_slice %arg7[%dma_wait3A_195, %dma_wait3A_199] : memref<4x128xi32, #tpu.memory_space<vmem>> -> memref<1x128xi32, #tpu.memory_space<vmem>>
    %dma_wait3A_201 = tpu.memref_squeeze %dma_wait3A_200 : memref<1x128xi32, #tpu.memory_space<vmem>> -> memref<128xi32, #tpu.memory_space<vmem>>
    %dma_wait3A_202 = arith.constant 0 : i32
    %dma_wait3A_203 = tpu.memref_slice %arg4[%dma_wait3A_202] : memref<2064384xi32, #tpu.memory_space<vmem_shared>> -> memref<2064384xi32, #tpu.memory_space<vmem_shared>>
    tpu.wait_indirect_dma semaphore(%arg10 : memref<!tpu.dma_semaphore, #tpu.memory_space<semaphore_mem>>) src(%dma_wait3A_198 : memref<128xi32, #tpu.memory_space<vmem>>) dst(%dma_wait3A_203 : memref<2064384xi32, #tpu.memory_space<vmem_shared>>)
    %dma_wait3A_204 = arith.constant 3 : i32
    %dma_wait3A_205 = arith.constant 3 : i32
    %dma_wait3A_206 = arith.constant 0 : i32
    %dma_wait3A_207 = tpu.memref_slice %arg8[%dma_wait3A_204, %dma_wait3A_206] : memref<4x128xi32, #tpu.memory_space<vmem>> -> memref<1x128xi32, #tpu.memory_space<vmem>>
    %dma_wait3A_208 = tpu.memref_squeeze %dma_wait3A_207 : memref<1x128xi32, #tpu.memory_space<vmem>> -> memref<128xi32, #tpu.memory_space<vmem>>
    %dma_wait3A_209 = arith.constant 0 : i32
    %dma_wait3A_210 = tpu.memref_slice %arg7[%dma_wait3A_205, %dma_wait3A_209] : memref<4x128xi32, #tpu.memory_space<vmem>> -> memref<1x128xi32, #tpu.memory_space<vmem>>
    %dma_wait3A_211 = tpu.memref_squeeze %dma_wait3A_210 : memref<1x128xi32, #tpu.memory_space<vmem>> -> memref<128xi32, #tpu.memory_space<vmem>>
    %dma_wait3A_212 = arith.constant 0 : i32
    %dma_wait3A_213 = tpu.memref_slice %arg4[%dma_wait3A_212] : memref<2064384xi32, #tpu.memory_space<vmem_shared>> -> memref<2064384xi32, #tpu.memory_space<vmem_shared>>
    tpu.wait_indirect_dma semaphore(%arg10 : memref<!tpu.dma_semaphore, #tpu.memory_space<semaphore_mem>>) src(%dma_wait3A_208 : memref<128xi32, #tpu.memory_space<vmem>>) dst(%dma_wait3A_213 : memref<2064384xi32, #tpu.memory_space<vmem_shared>>)
    %barrier3A_214 = arith.constant 0 : index
    tpu.barrier barrier_id(%barrier3A_214)
    %mul3A_215 = arith.constant 129024 : i32
    %mul3A_216 = arith.muli %arg1, %mul3A_215 : i32
    %mul3A_217 = arith.constant 129024 : i32
    %mul3A_218 = arith.muli %arg1, %mul3A_217 : i32
    %run_scoped3A_219 = arith.constant 0 : i32
    "tpu.region"() ({
      %run_scoped3A_220 = tpu.sem_alloc : memref<!tpu.dma_semaphore, #tpu.memory_space<semaphore_mem>>
      %dma_start3A_221 = tpu.memref_slice %arg3[%arg0, %run_scoped3A_219, %mul3A_218] : memref<2x1x2097152xi32, #tpu.memory_space<hbm>> -> memref<1x1x129024xi32, #tpu.memory_space<hbm>>
      %dma_start3A_222 = tpu.memref_squeeze %dma_start3A_221 : memref<1x1x129024xi32, #tpu.memory_space<hbm>> -> memref<129024xi32, #tpu.memory_space<hbm>>
      %dma_start3A_223 = tpu.memref_slice %arg4[%mul3A_216] : memref<2064384xi32, #tpu.memory_space<vmem_shared>> -> memref<129024xi32, #tpu.memory_space<vmem_shared>>
      tpu.enqueue_dma source(%dma_start3A_223 : memref<129024xi32, #tpu.memory_space<vmem_shared>>) target(%dma_start3A_222 : memref<129024xi32, #tpu.memory_space<hbm>>) target_semaphore(%run_scoped3A_220 : memref<!tpu.dma_semaphore, #tpu.memory_space<semaphore_mem>>)
      %dma_wait3A_224 = tpu.memref_slice %arg3[%arg0, %run_scoped3A_219, %mul3A_218] : memref<2x1x2097152xi32, #tpu.memory_space<hbm>> -> memref<1x1x129024xi32, #tpu.memory_space<hbm>>
      %dma_wait3A_225 = tpu.memref_squeeze %dma_wait3A_224 : memref<1x1x129024xi32, #tpu.memory_space<hbm>> -> memref<129024xi32, #tpu.memory_space<hbm>>
      %dma_wait3A_226 = tpu.memref_slice %arg4[%mul3A_216] : memref<2064384xi32, #tpu.memory_space<vmem_shared>> -> memref<129024xi32, #tpu.memory_space<vmem_shared>>
      tpu.wait_dma2 semaphore(%run_scoped3A_220 : memref<!tpu.dma_semaphore, #tpu.memory_space<semaphore_mem>>) src(%dma_wait3A_226 : memref<129024xi32, #tpu.memory_space<vmem_shared>>) dst(%dma_wait3A_225 : memref<129024xi32, #tpu.memory_space<hbm>>)
      tpu.yield
    }) : () -> ()
    return
  }
}

module attributes {stable_mosaic.version = 14 : i64} {
  func.func @_entropy_body(%arg0: i32, %arg1: memref<1x1024x128xi32, #tpu.memory_space<vmem>>, %arg2: memref<1x1024x128xi32, #tpu.memory_space<vmem>>, %arg3: memref<1xf32, #tpu.memory_space<smem>>, %arg4: memref<1xf32, #tpu.memory_space<smem>>, %arg5: memref<1xf32, #tpu.memory_space<smem>>, %arg6: memref<512x8xf32, #tpu.memory_space<vmem>>, %arg7: memref<512x8xf32, #tpu.memory_space<vmem>>, %arg8: memref<2xf32, #tpu.memory_space<smem>>) attributes {dimension_semantics = [#tpu.dimension_semantics<arbitrary>], iteration_bounds = array<i64: 16>, scalar_prefetch = 0 : i64, scratch_operands = 3 : i64, tpu.core_type = #tpu.core_type<tc>, window_params = [{transform_indices = @transform_0, window_bounds = array<i64: 1, 1024, 128>}, {transform_indices = @transform_1, window_bounds = array<i64: 1, 1024, 128>}, {transform_indices = @transform_2, window_bounds = array<i64: 1>}, {transform_indices = @transform_3, window_bounds = array<i64: 1>}, {transform_indices = @transform_4, window_bounds = array<i64: 1>}]} {
    %eq3A = arith.constant 0 : i32
    %eq3A_0 = arith.cmpi eq, %arg0, %eq3A : i32
    %convert_element_type3A = arith.extui %eq3A_0 : i1 to i32
    %cond3A = arith.constant 0 : i32
    %cond3A_1 = arith.cmpi ne, %convert_element_type3A, %cond3A : i32
    scf.if %cond3A_1 {
      %swap3A_189 = arith.constant 0.000000e+00 : f32
      %swap3A_190 = arith.constant 0 : index
      %swap3A_191 = memref.load %arg8[%swap3A_190] : memref<2xf32, #tpu.memory_space<smem>>
      memref.store %swap3A_189, %arg8[%swap3A_190] : memref<2xf32, #tpu.memory_space<smem>>
      %swap3A_192 = arith.constant 0.000000e+00 : f32
      %swap3A_193 = arith.constant 1 : index
      %swap3A_194 = memref.load %arg8[%swap3A_193] : memref<2xf32, #tpu.memory_space<smem>>
      memref.store %swap3A_192, %arg8[%swap3A_193] : memref<2xf32, #tpu.memory_space<smem>>
    } else {
    }
    %iota3A = tpu.iota {dimensions = array<i32: 1>} : vector<1024x128xi32>
    %and3A = arith.constant 7 : i32
    %and3A_2 = vector.broadcast %and3A : i32 to vector<1024x128xi32>
    %and3A_3 = arith.andi %iota3A, %and3A_2 : vector<1024x128xi32>
    %eq3A_4 = arith.constant 0 : i32
    %eq3A_5 = vector.broadcast %eq3A_4 : i32 to vector<1024x128xi32>
    %eq3A_6 = arith.cmpi eq, %and3A_3, %eq3A_5 : vector<1024x128xi32>
    %get3A = arith.constant 0 : index
    %get3A_7 = arith.constant 0 : index
    %get3A_8 = arith.constant 0 : index
    %get3A_9 = vector.load %arg1[%get3A, %get3A_7, %get3A_8] : memref<1x1024x128xi32, #tpu.memory_space<vmem>>, vector<1x1024x128xi32>
    %reshape3A = vector.shape_cast %get3A_9 : vector<1x1024x128xi32> to vector<1024x128xi32>
    %convert_element_type3A_10 = arith.sitofp %reshape3A : vector<1024x128xi32> to vector<1024x128xf32>
    %gt3A = arith.constant 0.000000e+00 : f32
    %gt3A_11 = vector.broadcast %gt3A : f32 to vector<1024x128xf32>
    %gt3A_12 = arith.cmpf ogt, %convert_element_type3A_10, %gt3A_11 : vector<1024x128xf32>
    %gt3A_13 = arith.constant 0.000000e+00 : f32
    %gt3A_14 = vector.broadcast %gt3A_13 : f32 to vector<1024x128xf32>
    %gt3A_15 = arith.cmpf ogt, %convert_element_type3A_10, %gt3A_14 : vector<1024x128xf32>
    %jit3A = arith.constant 1.000000e+00 : f32
    %broadcast_in_dim3A = vector.broadcast %jit3A : f32 to vector<1024x128xf32>
    %select_n3A = arith.select %gt3A_15, %convert_element_type3A_10, %broadcast_in_dim3A : vector<1024x128xi1>, vector<1024x128xf32>
    %log3A = math.log %select_n3A : vector<1024x128xf32>
    %log3A_16 = arith.constant 2.000000e+00 : f32
    %log3A_17 = math.log %log3A_16 : f32
    %div3A = vector.broadcast %log3A_17 : f32 to vector<1024x128xf32>
    %div3A_18 = arith.divf %log3A, %div3A : vector<1024x128xf32>
    %mul3A = arith.mulf %convert_element_type3A_10, %div3A_18 : vector<1024x128xf32>
    %jit3A_19 = arith.constant 0.000000e+00 : f32
    %broadcast_in_dim3A_20 = vector.broadcast %jit3A_19 : f32 to vector<1024x128xf32>
    %select_n3A_21 = arith.select %gt3A_12, %mul3A, %broadcast_in_dim3A_20 : vector<1024x128xi1>, vector<1024x128xf32>
    %roll3A = arith.constant 124 : i32
    %roll3A_22 = tpu.dynamic_rotate %convert_element_type3A_10 by %roll3A dim 1 : vector<1024x128xf32>, i32 -> vector<1024x128xf32>
    %add3A = arith.addf %convert_element_type3A_10, %roll3A_22 : vector<1024x128xf32>
    %roll3A_23 = arith.constant 126 : i32
    %roll3A_24 = tpu.dynamic_rotate %add3A by %roll3A_23 dim 1 : vector<1024x128xf32>, i32 -> vector<1024x128xf32>
    %add3A_25 = arith.addf %add3A, %roll3A_24 : vector<1024x128xf32>
    %roll3A_26 = arith.constant 127 : i32
    %roll3A_27 = tpu.dynamic_rotate %add3A_25 by %roll3A_26 dim 1 : vector<1024x128xf32>, i32 -> vector<1024x128xf32>
    %add3A_28 = arith.addf %add3A_25, %roll3A_27 : vector<1024x128xf32>
    %roll3A_29 = arith.constant 124 : i32
    %roll3A_30 = tpu.dynamic_rotate %select_n3A_21 by %roll3A_29 dim 1 : vector<1024x128xf32>, i32 -> vector<1024x128xf32>
    %add3A_31 = arith.addf %select_n3A_21, %roll3A_30 : vector<1024x128xf32>
    %roll3A_32 = arith.constant 126 : i32
    %roll3A_33 = tpu.dynamic_rotate %add3A_31 by %roll3A_32 dim 1 : vector<1024x128xf32>, i32 -> vector<1024x128xf32>
    %add3A_34 = arith.addf %add3A_31, %roll3A_33 : vector<1024x128xf32>
    %roll3A_35 = arith.constant 127 : i32
    %roll3A_36 = tpu.dynamic_rotate %add3A_34 by %roll3A_35 dim 1 : vector<1024x128xf32>, i32 -> vector<1024x128xf32>
    %add3A_37 = arith.addf %add3A_34, %roll3A_36 : vector<1024x128xf32>
    %gt3A_38 = arith.constant 0.000000e+00 : f32
    %gt3A_39 = vector.broadcast %gt3A_38 : f32 to vector<1024x128xf32>
    %gt3A_40 = arith.cmpf ogt, %add3A_28, %gt3A_39 : vector<1024x128xf32>
    %jit3A_41 = arith.constant 1.000000e+00 : f32
    %broadcast_in_dim3A_42 = vector.broadcast %jit3A_41 : f32 to vector<1024x128xf32>
    %select_n3A_43 = arith.select %gt3A_40, %add3A_28, %broadcast_in_dim3A_42 : vector<1024x128xi1>, vector<1024x128xf32>
    %gt3A_44 = arith.constant 0.000000e+00 : f32
    %gt3A_45 = vector.broadcast %gt3A_44 : f32 to vector<1024x128xf32>
    %gt3A_46 = arith.cmpf ogt, %add3A_28, %gt3A_45 : vector<1024x128xf32>
    %and3A_47 = arith.andi %eq3A_6, %gt3A_46 : vector<1024x128xi1>
    %log3A_48 = math.log %select_n3A_43 : vector<1024x128xf32>
    %log3A_49 = arith.constant 2.000000e+00 : f32
    %log3A_50 = math.log %log3A_49 : f32
    %div3A_51 = vector.broadcast %log3A_50 : f32 to vector<1024x128xf32>
    %div3A_52 = arith.divf %log3A_48, %div3A_51 : vector<1024x128xf32>
    %div3A_53 = arith.divf %add3A_37, %select_n3A_43 : vector<1024x128xf32>
    %sub3A = arith.subf %div3A_52, %div3A_53 : vector<1024x128xf32>
    %mul3A_54 = arith.mulf %add3A_28, %sub3A : vector<1024x128xf32>
    %jit3A_55 = arith.constant 0.000000e+00 : f32
    %broadcast_in_dim3A_56 = vector.broadcast %jit3A_55 : f32 to vector<1024x128xf32>
    %select_n3A_57 = arith.select %and3A_47, %mul3A_54, %broadcast_in_dim3A_56 : vector<1024x128xi1>, vector<1024x128xf32>
    %reduce_sum3A = vector.shape_cast %select_n3A_57 : vector<1024x128xf32> to vector<1x1024x128xf32>
    %reduce_sum3A_58 = arith.constant dense<0.000000e+00> : vector<1xf32>
    %reduce_sum3A_59 = vector.multi_reduction <add>, %reduce_sum3A, %reduce_sum3A_58 [1, 2] : vector<1x1024x128xf32> to vector<1xf32>
    %reduce_sum3A_60 = vector.shape_cast %reduce_sum3A_59 : vector<1xf32> to vector<1x1x1xf32>
    %reduce_sum3A_61 = vector.extract %reduce_sum3A_60[0, 0, 0] : f32 from vector<1x1x1xf32>
    %div3A_62 = arith.constant 0x49F423E0 : f32
    %div3A_63 = arith.divf %reduce_sum3A_61, %div3A_62 : f32
    %roll3A_64 = arith.constant 64 : i32
    %roll3A_65 = tpu.dynamic_rotate %convert_element_type3A_10 by %roll3A_64 dim 1 : vector<1024x128xf32>, i32 -> vector<1024x128xf32>
    %add3A_66 = arith.addf %convert_element_type3A_10, %roll3A_65 : vector<1024x128xf32>
    %roll3A_67 = arith.constant 96 : i32
    %roll3A_68 = tpu.dynamic_rotate %add3A_66 by %roll3A_67 dim 1 : vector<1024x128xf32>, i32 -> vector<1024x128xf32>
    %add3A_69 = arith.addf %add3A_66, %roll3A_68 : vector<1024x128xf32>
    %roll3A_70 = arith.constant 112 : i32
    %roll3A_71 = tpu.dynamic_rotate %add3A_69 by %roll3A_70 dim 1 : vector<1024x128xf32>, i32 -> vector<1024x128xf32>
    %add3A_72 = arith.addf %add3A_69, %roll3A_71 : vector<1024x128xf32>
    %roll3A_73 = arith.constant 120 : i32
    %roll3A_74 = tpu.dynamic_rotate %add3A_72 by %roll3A_73 dim 1 : vector<1024x128xf32>, i32 -> vector<1024x128xf32>
    %add3A_75 = arith.addf %add3A_72, %roll3A_74 : vector<1024x128xf32>
    %reshape3A_76 = vector.shape_cast %add3A_75 : vector<1024x128xf32> to vector<32x32x128xf32>
    %reduce_sum3A_77 = arith.constant dense<0.000000e+00> : vector<32x128xf32>
    %reduce_sum3A_78 = vector.multi_reduction <add>, %reshape3A_76, %reduce_sum3A_77 [1] : vector<32x32x128xf32> to vector<32x128xf32>
    %slice3A = vector.extract_strided_slice %reduce_sum3A_78 {offsets = [0, 0], sizes = [32, 8], strides = [1, 1]} : vector<32x128xf32> to vector<32x8xf32>
    %mul3A_79 = arith.constant 32 : i32
    %mul3A_80 = arith.muli %arg0, %mul3A_79 : i32
    %swap3A = arith.index_cast %mul3A_80 : i32 to index
    %swap3A_81 = arith.constant 0 : index
    %swap3A_82 = vector.load %arg6[%swap3A, %swap3A_81] : memref<512x8xf32, #tpu.memory_space<vmem>>, vector<32x8xf32>
    tpu.vector_store %arg6[%swap3A, %swap3A_81], %slice3A {strides = array<i32>} : memref<512x8xf32, #tpu.memory_space<vmem>>, vector<32x8xf32>,
    %get3A_83 = arith.constant 0 : index
    %get3A_84 = arith.constant 0 : index
    %get3A_85 = arith.constant 0 : index
    %get3A_86 = vector.load %arg2[%get3A_83, %get3A_84, %get3A_85] : memref<1x1024x128xi32, #tpu.memory_space<vmem>>, vector<1x1024x128xi32>
    %reshape3A_87 = vector.shape_cast %get3A_86 : vector<1x1024x128xi32> to vector<1024x128xi32>
    %convert_element_type3A_88 = arith.sitofp %reshape3A_87 : vector<1024x128xi32> to vector<1024x128xf32>
    %gt3A_89 = arith.constant 0.000000e+00 : f32
    %gt3A_90 = vector.broadcast %gt3A_89 : f32 to vector<1024x128xf32>
    %gt3A_91 = arith.cmpf ogt, %convert_element_type3A_88, %gt3A_90 : vector<1024x128xf32>
    %gt3A_92 = arith.constant 0.000000e+00 : f32
    %gt3A_93 = vector.broadcast %gt3A_92 : f32 to vector<1024x128xf32>
    %gt3A_94 = arith.cmpf ogt, %convert_element_type3A_88, %gt3A_93 : vector<1024x128xf32>
    %jit3A_95 = arith.constant 1.000000e+00 : f32
    %broadcast_in_dim3A_96 = vector.broadcast %jit3A_95 : f32 to vector<1024x128xf32>
    %select_n3A_97 = arith.select %gt3A_94, %convert_element_type3A_88, %broadcast_in_dim3A_96 : vector<1024x128xi1>, vector<1024x128xf32>
    %log3A_98 = math.log %select_n3A_97 : vector<1024x128xf32>
    %log3A_99 = arith.constant 2.000000e+00 : f32
    %log3A_100 = math.log %log3A_99 : f32
    %div3A_101 = vector.broadcast %log3A_100 : f32 to vector<1024x128xf32>
    %div3A_102 = arith.divf %log3A_98, %div3A_101 : vector<1024x128xf32>
    %mul3A_103 = arith.mulf %convert_element_type3A_88, %div3A_102 : vector<1024x128xf32>
    %jit3A_104 = arith.constant 0.000000e+00 : f32
    %broadcast_in_dim3A_105 = vector.broadcast %jit3A_104 : f32 to vector<1024x128xf32>
    %select_n3A_106 = arith.select %gt3A_91, %mul3A_103, %broadcast_in_dim3A_105 : vector<1024x128xi1>, vector<1024x128xf32>
    %roll3A_107 = arith.constant 124 : i32
    %roll3A_108 = tpu.dynamic_rotate %convert_element_type3A_88 by %roll3A_107 dim 1 : vector<1024x128xf32>, i32 -> vector<1024x128xf32>
    %add3A_109 = arith.addf %convert_element_type3A_88, %roll3A_108 : vector<1024x128xf32>
    %roll3A_110 = arith.constant 126 : i32
    %roll3A_111 = tpu.dynamic_rotate %add3A_109 by %roll3A_110 dim 1 : vector<1024x128xf32>, i32 -> vector<1024x128xf32>
    %add3A_112 = arith.addf %add3A_109, %roll3A_111 : vector<1024x128xf32>
    %roll3A_113 = arith.constant 127 : i32
    %roll3A_114 = tpu.dynamic_rotate %add3A_112 by %roll3A_113 dim 1 : vector<1024x128xf32>, i32 -> vector<1024x128xf32>
    %add3A_115 = arith.addf %add3A_112, %roll3A_114 : vector<1024x128xf32>
    %roll3A_116 = arith.constant 124 : i32
    %roll3A_117 = tpu.dynamic_rotate %select_n3A_106 by %roll3A_116 dim 1 : vector<1024x128xf32>, i32 -> vector<1024x128xf32>
    %add3A_118 = arith.addf %select_n3A_106, %roll3A_117 : vector<1024x128xf32>
    %roll3A_119 = arith.constant 126 : i32
    %roll3A_120 = tpu.dynamic_rotate %add3A_118 by %roll3A_119 dim 1 : vector<1024x128xf32>, i32 -> vector<1024x128xf32>
    %add3A_121 = arith.addf %add3A_118, %roll3A_120 : vector<1024x128xf32>
    %roll3A_122 = arith.constant 127 : i32
    %roll3A_123 = tpu.dynamic_rotate %add3A_121 by %roll3A_122 dim 1 : vector<1024x128xf32>, i32 -> vector<1024x128xf32>
    %add3A_124 = arith.addf %add3A_121, %roll3A_123 : vector<1024x128xf32>
    %gt3A_125 = arith.constant 0.000000e+00 : f32
    %gt3A_126 = vector.broadcast %gt3A_125 : f32 to vector<1024x128xf32>
    %gt3A_127 = arith.cmpf ogt, %add3A_115, %gt3A_126 : vector<1024x128xf32>
    %jit3A_128 = arith.constant 1.000000e+00 : f32
    %broadcast_in_dim3A_129 = vector.broadcast %jit3A_128 : f32 to vector<1024x128xf32>
    %select_n3A_130 = arith.select %gt3A_127, %add3A_115, %broadcast_in_dim3A_129 : vector<1024x128xi1>, vector<1024x128xf32>
    %gt3A_131 = arith.constant 0.000000e+00 : f32
    %gt3A_132 = vector.broadcast %gt3A_131 : f32 to vector<1024x128xf32>
    %gt3A_133 = arith.cmpf ogt, %add3A_115, %gt3A_132 : vector<1024x128xf32>
    %and3A_134 = arith.andi %eq3A_6, %gt3A_133 : vector<1024x128xi1>
    %log3A_135 = math.log %select_n3A_130 : vector<1024x128xf32>
    %log3A_136 = arith.constant 2.000000e+00 : f32
    %log3A_137 = math.log %log3A_136 : f32
    %div3A_138 = vector.broadcast %log3A_137 : f32 to vector<1024x128xf32>
    %div3A_139 = arith.divf %log3A_135, %div3A_138 : vector<1024x128xf32>
    %div3A_140 = arith.divf %add3A_124, %select_n3A_130 : vector<1024x128xf32>
    %sub3A_141 = arith.subf %div3A_139, %div3A_140 : vector<1024x128xf32>
    %mul3A_142 = arith.mulf %add3A_115, %sub3A_141 : vector<1024x128xf32>
    %jit3A_143 = arith.constant 0.000000e+00 : f32
    %broadcast_in_dim3A_144 = vector.broadcast %jit3A_143 : f32 to vector<1024x128xf32>
    %select_n3A_145 = arith.select %and3A_134, %mul3A_142, %broadcast_in_dim3A_144 : vector<1024x128xi1>, vector<1024x128xf32>
    %reduce_sum3A_146 = vector.shape_cast %select_n3A_145 : vector<1024x128xf32> to vector<1x1024x128xf32>
    %reduce_sum3A_147 = arith.constant dense<0.000000e+00> : vector<1xf32>
    %reduce_sum3A_148 = vector.multi_reduction <add>, %reduce_sum3A_146, %reduce_sum3A_147 [1, 2] : vector<1x1024x128xf32> to vector<1xf32>
    %reduce_sum3A_149 = vector.shape_cast %reduce_sum3A_148 : vector<1xf32> to vector<1x1x1xf32>
    %reduce_sum3A_150 = vector.extract %reduce_sum3A_149[0, 0, 0] : f32 from vector<1x1x1xf32>
    %div3A_151 = arith.constant 0x49F423E0 : f32
    %div3A_152 = arith.divf %reduce_sum3A_150, %div3A_151 : f32
    %roll3A_153 = arith.constant 64 : i32
    %roll3A_154 = tpu.dynamic_rotate %convert_element_type3A_88 by %roll3A_153 dim 1 : vector<1024x128xf32>, i32 -> vector<1024x128xf32>
    %add3A_155 = arith.addf %convert_element_type3A_88, %roll3A_154 : vector<1024x128xf32>
    %roll3A_156 = arith.constant 96 : i32
    %roll3A_157 = tpu.dynamic_rotate %add3A_155 by %roll3A_156 dim 1 : vector<1024x128xf32>, i32 -> vector<1024x128xf32>
    %add3A_158 = arith.addf %add3A_155, %roll3A_157 : vector<1024x128xf32>
    %roll3A_159 = arith.constant 112 : i32
    %roll3A_160 = tpu.dynamic_rotate %add3A_158 by %roll3A_159 dim 1 : vector<1024x128xf32>, i32 -> vector<1024x128xf32>
    %add3A_161 = arith.addf %add3A_158, %roll3A_160 : vector<1024x128xf32>
    %roll3A_162 = arith.constant 120 : i32
    %roll3A_163 = tpu.dynamic_rotate %add3A_161 by %roll3A_162 dim 1 : vector<1024x128xf32>, i32 -> vector<1024x128xf32>
    %add3A_164 = arith.addf %add3A_161, %roll3A_163 : vector<1024x128xf32>
    %reshape3A_165 = vector.shape_cast %add3A_164 : vector<1024x128xf32> to vector<32x32x128xf32>
    %reduce_sum3A_166 = arith.constant dense<0.000000e+00> : vector<32x128xf32>
    %reduce_sum3A_167 = vector.multi_reduction <add>, %reshape3A_165, %reduce_sum3A_166 [1] : vector<32x32x128xf32> to vector<32x128xf32>
    %slice3A_168 = vector.extract_strided_slice %reduce_sum3A_167 {offsets = [0, 0], sizes = [32, 8], strides = [1, 1]} : vector<32x128xf32> to vector<32x8xf32>
    %mul3A_169 = arith.constant 32 : i32
    %mul3A_170 = arith.muli %arg0, %mul3A_169 : i32
    %swap3A_171 = arith.index_cast %mul3A_170 : i32 to index
    %swap3A_172 = arith.constant 0 : index
    %swap3A_173 = vector.load %arg7[%swap3A_171, %swap3A_172] : memref<512x8xf32, #tpu.memory_space<vmem>>, vector<32x8xf32>
    tpu.vector_store %arg7[%swap3A_171, %swap3A_172], %slice3A_168 {strides = array<i32>} : memref<512x8xf32, #tpu.memory_space<vmem>>, vector<32x8xf32>,
    %get3A_174 = arith.constant 0 : index
    %get3A_175 = memref.load %arg8[%get3A_174] : memref<2xf32, #tpu.memory_space<smem>>
    %add3A_176 = arith.addf %get3A_175, %div3A_63 : f32
    %swap3A_177 = arith.constant 0 : index
    %swap3A_178 = memref.load %arg8[%swap3A_177] : memref<2xf32, #tpu.memory_space<smem>>
    memref.store %add3A_176, %arg8[%swap3A_177] : memref<2xf32, #tpu.memory_space<smem>>
    %get3A_179 = arith.constant 1 : index
    %get3A_180 = memref.load %arg8[%get3A_179] : memref<2xf32, #tpu.memory_space<smem>>
    %add3A_181 = arith.addf %get3A_180, %div3A_152 : f32
    %swap3A_182 = arith.constant 1 : index
    %swap3A_183 = memref.load %arg8[%swap3A_182] : memref<2xf32, #tpu.memory_space<smem>>
    memref.store %add3A_181, %arg8[%swap3A_182] : memref<2xf32, #tpu.memory_space<smem>>
    %eq3A_184 = arith.constant 15 : i32
    %eq3A_185 = arith.cmpi eq, %arg0, %eq3A_184 : i32
    %convert_element_type3A_186 = arith.extui %eq3A_185 : i1 to i32
    %cond3A_187 = arith.constant 0 : i32
    %cond3A_188 = arith.cmpi ne, %convert_element_type3A_186, %cond3A_187 : i32
    scf.if %cond3A_188 {
      %get3A_189 = arith.constant 0 : index
      %get3A_190 = arith.constant 0 : index
      %get3A_191 = vector.load %arg6[%get3A_189, %get3A_190] : memref<512x8xf32, #tpu.memory_space<vmem>>, vector<512x8xf32>
      %reduce_sum3A_192 = arith.constant dense<0.000000e+00> : vector<512xf32>
      %reduce_sum3A_193 = vector.multi_reduction <add>, %get3A_191, %reduce_sum3A_192 [1] : vector<512x8xf32> to vector<512xf32>
      %gt3A_194 = arith.constant 0.000000e+00 : f32
      %gt3A_195 = vector.broadcast %gt3A_194 : f32 to vector<512x8xf32>
      %gt3A_196 = arith.cmpf ogt, %get3A_191, %gt3A_195 : vector<512x8xf32>
      %gt3A_197 = arith.constant 0.000000e+00 : f32
      %gt3A_198 = vector.broadcast %gt3A_197 : f32 to vector<512x8xf32>
      %gt3A_199 = arith.cmpf ogt, %get3A_191, %gt3A_198 : vector<512x8xf32>
      %jit3A_200 = arith.constant 1.000000e+00 : f32
      %broadcast_in_dim3A_201 = vector.broadcast %jit3A_200 : f32 to vector<512x8xf32>
      %select_n3A_202 = arith.select %gt3A_199, %get3A_191, %broadcast_in_dim3A_201 : vector<512x8xi1>, vector<512x8xf32>
      %log3A_203 = math.log %select_n3A_202 : vector<512x8xf32>
      %log3A_204 = arith.constant 2.000000e+00 : f32
      %log3A_205 = math.log %log3A_204 : f32
      %div3A_206 = vector.broadcast %log3A_205 : f32 to vector<512x8xf32>
      %div3A_207 = arith.divf %log3A_203, %div3A_206 : vector<512x8xf32>
      %mul3A_208 = arith.mulf %get3A_191, %div3A_207 : vector<512x8xf32>
      %jit3A_209 = arith.constant 0.000000e+00 : f32
      %broadcast_in_dim3A_210 = vector.broadcast %jit3A_209 : f32 to vector<512x8xf32>
      %select_n3A_211 = arith.select %gt3A_196, %mul3A_208, %broadcast_in_dim3A_210 : vector<512x8xi1>, vector<512x8xf32>
      %reduce_sum3A_212 = arith.constant dense<0.000000e+00> : vector<512xf32>
      %reduce_sum3A_213 = vector.multi_reduction <add>, %select_n3A_211, %reduce_sum3A_212 [1] : vector<512x8xf32> to vector<512xf32>
      %gt3A_214 = arith.constant 0.000000e+00 : f32
      %gt3A_215 = vector.broadcast %gt3A_214 : f32 to vector<512xf32>
      %gt3A_216 = arith.cmpf ogt, %reduce_sum3A_193, %gt3A_215 : vector<512xf32>
      %jit3A_217 = arith.constant 1.000000e+00 : f32
      %broadcast_in_dim3A_218 = vector.broadcast %jit3A_217 : f32 to vector<512xf32>
      %select_n3A_219 = arith.select %gt3A_216, %reduce_sum3A_193, %broadcast_in_dim3A_218 : vector<512xi1>, vector<512xf32>
      %log3A_220 = math.log %select_n3A_219 : vector<512xf32>
      %log3A_221 = arith.constant 2.000000e+00 : f32
      %log3A_222 = math.log %log3A_221 : f32
      %div3A_223 = vector.broadcast %log3A_222 : f32 to vector<512xf32>
      %div3A_224 = arith.divf %log3A_220, %div3A_223 : vector<512xf32>
      %div3A_225 = arith.divf %reduce_sum3A_213, %select_n3A_219 : vector<512xf32>
      %sub3A_226 = arith.subf %div3A_224, %div3A_225 : vector<512xf32>
      %mul3A_227 = arith.mulf %reduce_sum3A_193, %sub3A_226 : vector<512xf32>
      %reduce_sum3A_228 = vector.shape_cast %mul3A_227 : vector<512xf32> to vector<1x512xf32>
      %reduce_sum3A_229 = arith.constant dense<0.000000e+00> : vector<1xf32>
      %reduce_sum3A_230 = vector.multi_reduction <add>, %reduce_sum3A_228, %reduce_sum3A_229 [1] : vector<1x512xf32> to vector<1xf32>
      %reduce_sum3A_231 = vector.shape_cast %reduce_sum3A_230 : vector<1xf32> to vector<1x1xf32>
      %reduce_sum3A_232 = vector.extract %reduce_sum3A_231[0, 0] : f32 from vector<1x1xf32>
      %div3A_233 = arith.constant 0x49F423E0 : f32
      %div3A_234 = arith.divf %reduce_sum3A_232, %div3A_233 : f32
      %get3A_235 = arith.constant 0 : index
      %get3A_236 = arith.constant 0 : index
      %get3A_237 = vector.load %arg7[%get3A_235, %get3A_236] : memref<512x8xf32, #tpu.memory_space<vmem>>, vector<512x8xf32>
      %reduce_sum3A_238 = arith.constant dense<0.000000e+00> : vector<512xf32>
      %reduce_sum3A_239 = vector.multi_reduction <add>, %get3A_237, %reduce_sum3A_238 [1] : vector<512x8xf32> to vector<512xf32>
      %gt3A_240 = arith.constant 0.000000e+00 : f32
      %gt3A_241 = vector.broadcast %gt3A_240 : f32 to vector<512x8xf32>
      %gt3A_242 = arith.cmpf ogt, %get3A_237, %gt3A_241 : vector<512x8xf32>
      %gt3A_243 = arith.constant 0.000000e+00 : f32
      %gt3A_244 = vector.broadcast %gt3A_243 : f32 to vector<512x8xf32>
      %gt3A_245 = arith.cmpf ogt, %get3A_237, %gt3A_244 : vector<512x8xf32>
      %jit3A_246 = arith.constant 1.000000e+00 : f32
      %broadcast_in_dim3A_247 = vector.broadcast %jit3A_246 : f32 to vector<512x8xf32>
      %select_n3A_248 = arith.select %gt3A_245, %get3A_237, %broadcast_in_dim3A_247 : vector<512x8xi1>, vector<512x8xf32>
      %log3A_249 = math.log %select_n3A_248 : vector<512x8xf32>
      %log3A_250 = arith.constant 2.000000e+00 : f32
      %log3A_251 = math.log %log3A_250 : f32
      %div3A_252 = vector.broadcast %log3A_251 : f32 to vector<512x8xf32>
      %div3A_253 = arith.divf %log3A_249, %div3A_252 : vector<512x8xf32>
      %mul3A_254 = arith.mulf %get3A_237, %div3A_253 : vector<512x8xf32>
      %jit3A_255 = arith.constant 0.000000e+00 : f32
      %broadcast_in_dim3A_256 = vector.broadcast %jit3A_255 : f32 to vector<512x8xf32>
      %select_n3A_257 = arith.select %gt3A_242, %mul3A_254, %broadcast_in_dim3A_256 : vector<512x8xi1>, vector<512x8xf32>
      %reduce_sum3A_258 = arith.constant dense<0.000000e+00> : vector<512xf32>
      %reduce_sum3A_259 = vector.multi_reduction <add>, %select_n3A_257, %reduce_sum3A_258 [1] : vector<512x8xf32> to vector<512xf32>
      %gt3A_260 = arith.constant 0.000000e+00 : f32
      %gt3A_261 = vector.broadcast %gt3A_260 : f32 to vector<512xf32>
      %gt3A_262 = arith.cmpf ogt, %reduce_sum3A_239, %gt3A_261 : vector<512xf32>
      %jit3A_263 = arith.constant 1.000000e+00 : f32
      %broadcast_in_dim3A_264 = vector.broadcast %jit3A_263 : f32 to vector<512xf32>
      %select_n3A_265 = arith.select %gt3A_262, %reduce_sum3A_239, %broadcast_in_dim3A_264 : vector<512xi1>, vector<512xf32>
      %log3A_266 = math.log %select_n3A_265 : vector<512xf32>
      %log3A_267 = arith.constant 2.000000e+00 : f32
      %log3A_268 = math.log %log3A_267 : f32
      %div3A_269 = vector.broadcast %log3A_268 : f32 to vector<512xf32>
      %div3A_270 = arith.divf %log3A_266, %div3A_269 : vector<512xf32>
      %div3A_271 = arith.divf %reduce_sum3A_259, %select_n3A_265 : vector<512xf32>
      %sub3A_272 = arith.subf %div3A_270, %div3A_271 : vector<512xf32>
      %mul3A_273 = arith.mulf %reduce_sum3A_239, %sub3A_272 : vector<512xf32>
      %reduce_sum3A_274 = vector.shape_cast %mul3A_273 : vector<512xf32> to vector<1x512xf32>
      %reduce_sum3A_275 = arith.constant dense<0.000000e+00> : vector<1xf32>
      %reduce_sum3A_276 = vector.multi_reduction <add>, %reduce_sum3A_274, %reduce_sum3A_275 [1] : vector<1x512xf32> to vector<1xf32>
      %reduce_sum3A_277 = vector.shape_cast %reduce_sum3A_276 : vector<1xf32> to vector<1x1xf32>
      %reduce_sum3A_278 = vector.extract %reduce_sum3A_277[0, 0] : f32 from vector<1x1xf32>
      %div3A_279 = arith.constant 0x49F423E0 : f32
      %div3A_280 = arith.divf %reduce_sum3A_278, %div3A_279 : f32
      %get3A_281 = arith.constant 0 : index
      %get3A_282 = memref.load %arg8[%get3A_281] : memref<2xf32, #tpu.memory_space<smem>>
      %sub3A_283 = arith.subf %div3A_234, %get3A_282 : f32
      %max3A = arith.constant 0.000000e+00 : f32
      %max3A_284 = arith.maximumf %max3A, %sub3A_283 : f32
      %get3A_285 = arith.constant 1 : index
      %get3A_286 = memref.load %arg8[%get3A_285] : memref<2xf32, #tpu.memory_space<smem>>
      %sub3A_287 = arith.subf %div3A_280, %get3A_286 : f32
      %max3A_288 = arith.constant 0.000000e+00 : f32
      %max3A_289 = arith.maximumf %max3A_288, %sub3A_287 : f32
      %swap3A_290 = arith.constant 0 : index
      %swap3A_291 = memref.load %arg3[%swap3A_290] : memref<1xf32, #tpu.memory_space<smem>>
      memref.store %max3A_284, %arg3[%swap3A_290] : memref<1xf32, #tpu.memory_space<smem>>
      %swap3A_292 = arith.constant 0 : index
      %swap3A_293 = memref.load %arg4[%swap3A_292] : memref<1xf32, #tpu.memory_space<smem>>
      memref.store %max3A_289, %arg4[%swap3A_292] : memref<1xf32, #tpu.memory_space<smem>>
      %sub3A_294 = arith.subf %max3A_284, %max3A_289 : f32
      %swap3A_295 = arith.constant 0 : index
      %swap3A_296 = memref.load %arg5[%swap3A_295] : memref<1xf32, #tpu.memory_space<smem>>
      memref.store %sub3A_294, %arg5[%swap3A_295] : memref<1xf32, #tpu.memory_space<smem>>
    } else {
    }
    return
  }
  func.func @transform_0(%arg0: i32) -> (i32, i32, i32) {
    %c0_i32 = arith.constant 0 : i32
    %c0_i32_0 = arith.constant 0 : i32
    %c0_i32_1 = arith.constant 0 : i32
    return %c0_i32, %arg0, %c0_i32_0 : i32, i32, i32
  }
  func.func @transform_1(%arg0: i32) -> (i32, i32, i32) {
    %c1_i32 = arith.constant 1 : i32
    %c0_i32 = arith.constant 0 : i32
    %c0_i32_0 = arith.constant 0 : i32
    return %c1_i32, %arg0, %c0_i32 : i32, i32, i32
  }
  func.func @transform_2(%arg0: i32) -> i32 {
    %c0_i32 = arith.constant 0 : i32
    %c0_i32_0 = arith.constant 0 : i32
    return %c0_i32 : i32
  }
  func.func @transform_3(%arg0: i32) -> i32 {
    %c0_i32 = arith.constant 0 : i32
    %c0_i32_0 = arith.constant 0 : i32
    return %c0_i32 : i32
  }
  func.func @transform_4(%arg0: i32) -> i32 {
    %c0_i32 = arith.constant 0 : i32
    %c0_i32_0 = arith.constant 0 : i32
    return %c0_i32 : i32
  }
}

module attributes {stable_mosaic.version = 14 : i64} {
  func.func @_keys_body(%arg0: i32, %arg1: memref<4xf32, #tpu.memory_space<smem>>, %arg2: memref<131072xf32, #tpu.memory_space<vmem>>, %arg3: memref<131072xf32, #tpu.memory_space<vmem>>, %arg4: memref<131072xf32, #tpu.memory_space<vmem>>, %arg5: memref<131072xf32, #tpu.memory_space<vmem>>, %arg6: memref<2x1x131072xi32, #tpu.memory_space<vmem>>) attributes {dimension_semantics = [#tpu.dimension_semantics<arbitrary>], iteration_bounds = array<i64: 16>, scalar_prefetch = 0 : i64, scratch_operands = 0 : i64, tpu.core_type = #tpu.core_type<tc>, window_params = [{transform_indices = @transform_0, window_bounds = array<i64: 4>}, {transform_indices = @transform_1, window_bounds = array<i64: 131072>}, {transform_indices = @transform_2, window_bounds = array<i64: 131072>}, {transform_indices = @transform_3, window_bounds = array<i64: 131072>}, {transform_indices = @transform_4, window_bounds = array<i64: 131072>}, {transform_indices = @transform_5, window_bounds = array<i64: 2, 1, 131072>}]} {
    %get3A = arith.constant 0 : index
    %get3A_0 = memref.load %arg1[%get3A] : memref<4xf32, #tpu.memory_space<smem>>
    %get3A_1 = arith.constant 1 : index
    %get3A_2 = memref.load %arg1[%get3A_1] : memref<4xf32, #tpu.memory_space<smem>>
    %get3A_3 = arith.constant 2 : index
    %get3A_4 = memref.load %arg1[%get3A_3] : memref<4xf32, #tpu.memory_space<smem>>
    %get3A_5 = arith.constant 3 : index
    %get3A_6 = memref.load %arg1[%get3A_5] : memref<4xf32, #tpu.memory_space<smem>>
    %get3A_7 = arith.constant 0 : index
    %get3A_8 = vector.load %arg2[%get3A_7] : memref<131072xf32, #tpu.memory_space<vmem>>, vector<131072xf32>
    %get3A_9 = arith.constant 0 : index
    %get3A_10 = vector.load %arg3[%get3A_9] : memref<131072xf32, #tpu.memory_space<vmem>>, vector<8xf32>
    %concatenate3A = tpu.concatenate %get3A_8, %get3A_10 in 0 : vector<131072xf32>, vector<8xf32> -> vector<131080xf32>
    %get3A_11 = arith.constant 0 : index
    %get3A_12 = vector.load %arg4[%get3A_11] : memref<131072xf32, #tpu.memory_space<vmem>>, vector<131072xf32>
    %get3A_13 = arith.constant 0 : index
    %get3A_14 = vector.load %arg5[%get3A_13] : memref<131072xf32, #tpu.memory_space<vmem>>, vector<8xf32>
    %concatenate3A_15 = tpu.concatenate %get3A_12, %get3A_14 in 0 : vector<131072xf32>, vector<8xf32> -> vector<131080xf32>
    %sub3A = vector.broadcast %get3A_0 : f32 to vector<131080xf32>
    %sub3A_16 = arith.subf %concatenate3A, %sub3A : vector<131080xf32>
    %sub3A_17 = arith.subf %get3A_2, %get3A_0 : f32
    %add3A = arith.constant 9.99999993E-9 : f32
    %add3A_18 = arith.addf %sub3A_17, %add3A : f32
    %div3A = vector.broadcast %add3A_18 : f32 to vector<131080xf32>
    %div3A_19 = arith.divf %sub3A_16, %div3A : vector<131080xf32>
    %mul3A = arith.constant 7.000000e+00 : f32
    %mul3A_20 = vector.broadcast %mul3A : f32 to vector<131080xf32>
    %mul3A_21 = arith.mulf %div3A_19, %mul3A_20 : vector<131080xf32>
    %convert_element_type3A = arith.fptosi %mul3A_21 : vector<131080xf32> to vector<131080xi32>
    %jit3A = arith.constant 0 : i32
    %jit3A_22 = arith.constant 7 : i32
    %max3A = vector.broadcast %jit3A : i32 to vector<131080xi32>
    %max3A_23 = arith.maxsi %max3A, %convert_element_type3A : vector<131080xi32>
    %min3A = vector.broadcast %jit3A_22 : i32 to vector<131080xi32>
    %min3A_24 = arith.minsi %min3A, %max3A_23 : vector<131080xi32>
    %sub3A_25 = arith.subf %get3A_2, %get3A_0 : f32
    %lt3A = arith.constant 9.99999993E-9 : f32
    %lt3A_26 = arith.cmpf olt, %sub3A_25, %lt3A : f32
    %broadcast_in_dim3A = arith.constant 0 : i32
    %broadcast_in_dim3A_27 = vector.broadcast %broadcast_in_dim3A : i32 to vector<131080xi32>
    %select_n3A = arith.select %lt3A_26, %broadcast_in_dim3A_27, %min3A_24 : vector<131080xi32>
    %sub3A_28 = vector.broadcast %get3A_4 : f32 to vector<131080xf32>
    %sub3A_29 = arith.subf %concatenate3A_15, %sub3A_28 : vector<131080xf32>
    %sub3A_30 = arith.subf %get3A_6, %get3A_4 : f32
    %add3A_31 = arith.constant 9.99999993E-9 : f32
    %add3A_32 = arith.addf %sub3A_30, %add3A_31 : f32
    %div3A_33 = vector.broadcast %add3A_32 : f32 to vector<131080xf32>
    %div3A_34 = arith.divf %sub3A_29, %div3A_33 : vector<131080xf32>
    %mul3A_35 = arith.constant 7.000000e+00 : f32
    %mul3A_36 = vector.broadcast %mul3A_35 : f32 to vector<131080xf32>
    %mul3A_37 = arith.mulf %div3A_34, %mul3A_36 : vector<131080xf32>
    %convert_element_type3A_38 = arith.fptosi %mul3A_37 : vector<131080xf32> to vector<131080xi32>
    %jit3A_39 = arith.constant 0 : i32
    %jit3A_40 = arith.constant 7 : i32
    %max3A_41 = vector.broadcast %jit3A_39 : i32 to vector<131080xi32>
    %max3A_42 = arith.maxsi %max3A_41, %convert_element_type3A_38 : vector<131080xi32>
    %min3A_43 = vector.broadcast %jit3A_40 : i32 to vector<131080xi32>
    %min3A_44 = arith.minsi %min3A_43, %max3A_42 : vector<131080xi32>
    %sub3A_45 = arith.subf %get3A_6, %get3A_4 : f32
    %lt3A_46 = arith.constant 9.99999993E-9 : f32
    %lt3A_47 = arith.cmpf olt, %sub3A_45, %lt3A_46 : f32
    %broadcast_in_dim3A_48 = arith.constant 0 : i32
    %broadcast_in_dim3A_49 = vector.broadcast %broadcast_in_dim3A_48 : i32 to vector<131080xi32>
    %select_n3A_50 = arith.select %lt3A_47, %broadcast_in_dim3A_49, %min3A_44 : vector<131080xi32>
    %slice3A = vector.extract_strided_slice %select_n3A_50 {offsets = [1], sizes = [131072], strides = [1]} : vector<131080xi32> to vector<131072xi32>
    %slice3A_51 = vector.extract_strided_slice %select_n3A_50 {offsets = [2], sizes = [131072], strides = [1]} : vector<131080xi32> to vector<131072xi32>
    %slice3A_52 = vector.extract_strided_slice %select_n3A_50 {offsets = [3], sizes = [131072], strides = [1]} : vector<131080xi32> to vector<131072xi32>
    %slice3A_53 = vector.extract_strided_slice %select_n3A_50 {offsets = [4], sizes = [131072], strides = [1]} : vector<131080xi32> to vector<131072xi32>
    %slice3A_54 = vector.extract_strided_slice %select_n3A {offsets = [1], sizes = [131072], strides = [1]} : vector<131080xi32> to vector<131072xi32>
    %slice3A_55 = vector.extract_strided_slice %select_n3A {offsets = [2], sizes = [131072], strides = [1]} : vector<131080xi32> to vector<131072xi32>
    %slice3A_56 = vector.extract_strided_slice %select_n3A {offsets = [3], sizes = [131072], strides = [1]} : vector<131080xi32> to vector<131072xi32>
    %slice3A_57 = vector.extract_strided_slice %select_n3A {offsets = [4], sizes = [131072], strides = [1]} : vector<131080xi32> to vector<131072xi32>
    %mul3A_58 = arith.constant 8 : i32
    %mul3A_59 = vector.broadcast %mul3A_58 : i32 to vector<131072xi32>
    %mul3A_60 = arith.muli %mul3A_59, %slice3A_51 : vector<131072xi32>
    %add3A_61 = arith.addi %slice3A_52, %mul3A_60 : vector<131072xi32>
    %mul3A_62 = arith.constant 64 : i32
    %mul3A_63 = vector.broadcast %mul3A_62 : i32 to vector<131072xi32>
    %mul3A_64 = arith.muli %mul3A_63, %slice3A : vector<131072xi32>
    %add3A_65 = arith.addi %add3A_61, %mul3A_64 : vector<131072xi32>
    %mul3A_66 = arith.constant 8 : i32
    %mul3A_67 = vector.broadcast %mul3A_66 : i32 to vector<131072xi32>
    %mul3A_68 = arith.muli %mul3A_67, %slice3A_55 : vector<131072xi32>
    %add3A_69 = arith.addi %slice3A_56, %mul3A_68 : vector<131072xi32>
    %mul3A_70 = arith.constant 64 : i32
    %mul3A_71 = vector.broadcast %mul3A_70 : i32 to vector<131072xi32>
    %mul3A_72 = arith.muli %mul3A_71, %slice3A_54 : vector<131072xi32>
    %add3A_73 = arith.addi %add3A_69, %mul3A_72 : vector<131072xi32>
    %mul3A_74 = arith.constant 512 : i32
    %mul3A_75 = vector.broadcast %mul3A_74 : i32 to vector<131072xi32>
    %mul3A_76 = arith.muli %add3A_65, %mul3A_75 : vector<131072xi32>
    %add3A_77 = arith.addi %mul3A_76, %add3A_73 : vector<131072xi32>
    %mul3A_78 = arith.constant 8 : i32
    %mul3A_79 = vector.broadcast %mul3A_78 : i32 to vector<131072xi32>
    %mul3A_80 = arith.muli %add3A_77, %mul3A_79 : vector<131072xi32>
    %add3A_81 = arith.addi %mul3A_80, %slice3A_53 : vector<131072xi32>
    %swap3A = arith.constant 0 : index
    %swap3A_82 = arith.constant 0 : index
    %swap3A_83 = arith.constant 0 : index
    %swap3A_84 = vector.load %arg6[%swap3A, %swap3A_82, %swap3A_83] : memref<2x1x131072xi32, #tpu.memory_space<vmem>>, vector<1x1x131072xi32>
    %swap3A_85 = vector.shape_cast %swap3A_84 : vector<1x1x131072xi32> to vector<131072xi32>
    %swap3A_86 = vector.shape_cast %add3A_81 : vector<131072xi32> to vector<1x1x131072xi32>
    tpu.vector_store %arg6[%swap3A, %swap3A_82, %swap3A_83], %swap3A_86 {strides = array<i32>} : memref<2x1x131072xi32, #tpu.memory_space<vmem>>, vector<1x1x131072xi32>,
    %mul3A_87 = arith.constant 512 : i32
    %mul3A_88 = vector.broadcast %mul3A_87 : i32 to vector<131072xi32>
    %mul3A_89 = arith.muli %add3A_73, %mul3A_88 : vector<131072xi32>
    %add3A_90 = arith.addi %mul3A_89, %add3A_65 : vector<131072xi32>
    %mul3A_91 = arith.constant 8 : i32
    %mul3A_92 = vector.broadcast %mul3A_91 : i32 to vector<131072xi32>
    %mul3A_93 = arith.muli %add3A_90, %mul3A_92 : vector<131072xi32>
    %add3A_94 = arith.addi %mul3A_93, %slice3A_57 : vector<131072xi32>
    %swap3A_95 = arith.constant 1 : index
    %swap3A_96 = arith.constant 0 : index
    %swap3A_97 = arith.constant 0 : index
    %swap3A_98 = vector.load %arg6[%swap3A_95, %swap3A_96, %swap3A_97] : memref<2x1x131072xi32, #tpu.memory_space<vmem>>, vector<1x1x131072xi32>
    %swap3A_99 = vector.shape_cast %swap3A_98 : vector<1x1x131072xi32> to vector<131072xi32>
    %swap3A_100 = vector.shape_cast %add3A_94 : vector<131072xi32> to vector<1x1x131072xi32>
    tpu.vector_store %arg6[%swap3A_95, %swap3A_96, %swap3A_97], %swap3A_100 {strides = array<i32>} : memref<2x1x131072xi32, #tpu.memory_space<vmem>>, vector<1x1x131072xi32>,
    return
  }
  func.func @transform_0(%arg0: i32) -> i32 {
    %c0_i32 = arith.constant 0 : i32
    %c0_i32_0 = arith.constant 0 : i32
    return %c0_i32 : i32
  }
  func.func @transform_1(%arg0: i32) -> i32 {
    %c0_i32 = arith.constant 0 : i32
    return %arg0 : i32
  }
  func.func @transform_2(%arg0: i32) -> i32 {
    %add3A = arith.constant 1 : i32
    %add3A_0 = arith.addi %arg0, %add3A : i32
    %min3A = arith.constant 15 : i32
    %min3A_1 = arith.minsi %add3A_0, %min3A : i32
    %c0_i32 = arith.constant 0 : i32
    return %min3A_1 : i32
  }
  func.func @transform_3(%arg0: i32) -> i32 {
    %c0_i32 = arith.constant 0 : i32
    return %arg0 : i32
  }
  func.func @transform_4(%arg0: i32) -> i32 {
    %add3A = arith.constant 1 : i32
    %add3A_0 = arith.addi %arg0, %add3A : i32
    %min3A = arith.constant 15 : i32
    %min3A_1 = arith.minsi %add3A_0, %min3A : i32
    %c0_i32 = arith.constant 0 : i32
    return %min3A_1 : i32
  }
  func.func @transform_5(%arg0: i32) -> (i32, i32, i32) {
    %c0_i32 = arith.constant 0 : i32
    %c0_i32_0 = arith.constant 0 : i32
    %c0_i32_1 = arith.constant 0 : i32
    return %c0_i32, %c0_i32_0, %arg0 : i32, i32, i32
  }
}

module attributes {stable_mosaic.version = 14 : i64} {
  func.func @_minmax_body(%arg0: i32, %arg1: memref<131072xf32, #tpu.memory_space<vmem>>, %arg2: memref<131072xf32, #tpu.memory_space<vmem>>, %arg3: memref<4xf32, #tpu.memory_space<smem>>, %arg4: memref<4xf32, #tpu.memory_space<smem>>) attributes {dimension_semantics = [#tpu.dimension_semantics<arbitrary>], iteration_bounds = array<i64: 16>, scalar_prefetch = 0 : i64, scratch_operands = 1 : i64, tpu.core_type = #tpu.core_type<tc>, window_params = [{transform_indices = @transform_0, window_bounds = array<i64: 131072>}, {transform_indices = @transform_1, window_bounds = array<i64: 131072>}, {transform_indices = @transform_2, window_bounds = array<i64: 4>}]} {
    %get3A = arith.constant 0 : index
    %get3A_0 = vector.load %arg1[%get3A] : memref<131072xf32, #tpu.memory_space<vmem>>, vector<131072xf32>
    %reshape3A = vector.shape_cast %get3A_0 : vector<131072xf32> to vector<1024x128xf32>
    %get3A_1 = arith.constant 0 : index
    %get3A_2 = vector.load %arg2[%get3A_1] : memref<131072xf32, #tpu.memory_space<vmem>>, vector<131072xf32>
    %reshape3A_3 = vector.shape_cast %get3A_2 : vector<131072xf32> to vector<1024x128xf32>
    %eq3A = arith.constant 15 : i32
    %eq3A_4 = arith.cmpi eq, %arg0, %eq3A : i32
    %jit3A = arith.constant 265 : i32
    %jit3A_5 = arith.constant 1024 : i32
    %select_n3A = arith.select %eq3A_4, %jit3A, %jit3A_5 : i32
    %iota3A = tpu.iota {dimensions = array<i32: 0>} : vector<1024x128xi32>
    %lt3A = vector.broadcast %select_n3A : i32 to vector<1024x128xi32>
    %lt3A_6 = arith.cmpi slt, %iota3A, %lt3A : vector<1024x128xi32>
    %jit3A_7 = arith.constant 3.400000e+38 : f32
    %broadcast_in_dim3A = vector.broadcast %jit3A_7 : f32 to vector<1024x128xf32>
    %select_n3A_8 = arith.select %lt3A_6, %reshape3A, %broadcast_in_dim3A : vector<1024x128xi1>, vector<1024x128xf32>
    %reduce_min3A = vector.shape_cast %select_n3A_8 : vector<1024x128xf32> to vector<1x1024x128xf32>
    %reduce_min3A_9 = arith.constant dense<0x7F800000> : vector<1xf32>
    %reduce_min3A_10 = vector.multi_reduction <minimumf>, %reduce_min3A, %reduce_min3A_9 [1, 2] : vector<1x1024x128xf32> to vector<1xf32>
    %reduce_min3A_11 = vector.shape_cast %reduce_min3A_10 : vector<1xf32> to vector<1x1x1xf32>
    %reduce_min3A_12 = vector.extract %reduce_min3A_11[0, 0, 0] : f32 from vector<1x1x1xf32>
    %neg3A = arith.constant 0.000000e+00 : f32
    %neg3A_13 = arith.constant 3.400000e+38 : f32
    %neg3A_14 = arith.subf %neg3A, %neg3A_13 : f32
    %broadcast_in_dim3A_15 = vector.broadcast %neg3A_14 : f32 to vector<1024x128xf32>
    %select_n3A_16 = arith.select %lt3A_6, %reshape3A, %broadcast_in_dim3A_15 : vector<1024x128xi1>, vector<1024x128xf32>
    %reduce_max3A = vector.shape_cast %select_n3A_16 : vector<1024x128xf32> to vector<1x1024x128xf32>
    %reduce_max3A_17 = arith.constant dense<0xFF800000> : vector<1xf32>
    %reduce_max3A_18 = vector.multi_reduction <maximumf>, %reduce_max3A, %reduce_max3A_17 [1, 2] : vector<1x1024x128xf32> to vector<1xf32>
    %reduce_max3A_19 = vector.shape_cast %reduce_max3A_18 : vector<1xf32> to vector<1x1x1xf32>
    %reduce_max3A_20 = vector.extract %reduce_max3A_19[0, 0, 0] : f32 from vector<1x1x1xf32>
    %jit3A_21 = arith.constant 3.400000e+38 : f32
    %broadcast_in_dim3A_22 = vector.broadcast %jit3A_21 : f32 to vector<1024x128xf32>
    %select_n3A_23 = arith.select %lt3A_6, %reshape3A_3, %broadcast_in_dim3A_22 : vector<1024x128xi1>, vector<1024x128xf32>
    %reduce_min3A_24 = vector.shape_cast %select_n3A_23 : vector<1024x128xf32> to vector<1x1024x128xf32>
    %reduce_min3A_25 = arith.constant dense<0x7F800000> : vector<1xf32>
    %reduce_min3A_26 = vector.multi_reduction <minimumf>, %reduce_min3A_24, %reduce_min3A_25 [1, 2] : vector<1x1024x128xf32> to vector<1xf32>
    %reduce_min3A_27 = vector.shape_cast %reduce_min3A_26 : vector<1xf32> to vector<1x1x1xf32>
    %reduce_min3A_28 = vector.extract %reduce_min3A_27[0, 0, 0] : f32 from vector<1x1x1xf32>
    %neg3A_29 = arith.constant 0.000000e+00 : f32
    %neg3A_30 = arith.constant 3.400000e+38 : f32
    %neg3A_31 = arith.subf %neg3A_29, %neg3A_30 : f32
    %broadcast_in_dim3A_32 = vector.broadcast %neg3A_31 : f32 to vector<1024x128xf32>
    %select_n3A_33 = arith.select %lt3A_6, %reshape3A_3, %broadcast_in_dim3A_32 : vector<1024x128xi1>, vector<1024x128xf32>
    %reduce_max3A_34 = vector.shape_cast %select_n3A_33 : vector<1024x128xf32> to vector<1x1024x128xf32>
    %reduce_max3A_35 = arith.constant dense<0xFF800000> : vector<1xf32>
    %reduce_max3A_36 = vector.multi_reduction <maximumf>, %reduce_max3A_34, %reduce_max3A_35 [1, 2] : vector<1x1024x128xf32> to vector<1xf32>
    %reduce_max3A_37 = vector.shape_cast %reduce_max3A_36 : vector<1xf32> to vector<1x1x1xf32>
    %reduce_max3A_38 = vector.extract %reduce_max3A_37[0, 0, 0] : f32 from vector<1x1x1xf32>
    %eq3A_39 = arith.constant 0 : i32
    %eq3A_40 = arith.cmpi eq, %arg0, %eq3A_39 : i32
    %convert_element_type3A = arith.extui %eq3A_40 : i1 to i32
    %cond3A = arith.constant 0 : i32
    %cond3A_41 = arith.cmpi ne, %convert_element_type3A, %cond3A : i32
    scf.if %cond3A_41 {
      %swap3A = arith.constant 0 : index
      %swap3A_51 = memref.load %arg4[%swap3A] : memref<4xf32, #tpu.memory_space<smem>>
      memref.store %reduce_min3A_12, %arg4[%swap3A] : memref<4xf32, #tpu.memory_space<smem>>
      %swap3A_52 = arith.constant 1 : index
      %swap3A_53 = memref.load %arg4[%swap3A_52] : memref<4xf32, #tpu.memory_space<smem>>
      memref.store %reduce_max3A_20, %arg4[%swap3A_52] : memref<4xf32, #tpu.memory_space<smem>>
      %swap3A_54 = arith.constant 2 : index
      %swap3A_55 = memref.load %arg4[%swap3A_54] : memref<4xf32, #tpu.memory_space<smem>>
      memref.store %reduce_min3A_28, %arg4[%swap3A_54] : memref<4xf32, #tpu.memory_space<smem>>
      %swap3A_56 = arith.constant 3 : index
      %swap3A_57 = memref.load %arg4[%swap3A_56] : memref<4xf32, #tpu.memory_space<smem>>
      memref.store %reduce_max3A_38, %arg4[%swap3A_56] : memref<4xf32, #tpu.memory_space<smem>>
    } else {
    }
    %gt3A = arith.constant 0 : i32
    %gt3A_42 = arith.cmpi sgt, %arg0, %gt3A : i32
    %convert_element_type3A_43 = arith.extui %gt3A_42 : i1 to i32
    %cond3A_44 = arith.constant 0 : i32
    %cond3A_45 = arith.cmpi ne, %convert_element_type3A_43, %cond3A_44 : i32
    scf.if %cond3A_45 {
      %get3A_51 = arith.constant 0 : index
      %get3A_52 = memref.load %arg4[%get3A_51] : memref<4xf32, #tpu.memory_space<smem>>
      %min3A = arith.minimumf %get3A_52, %reduce_min3A_12 : f32
      %swap3A = arith.constant 0 : index
      %swap3A_53 = memref.load %arg4[%swap3A] : memref<4xf32, #tpu.memory_space<smem>>
      memref.store %min3A, %arg4[%swap3A] : memref<4xf32, #tpu.memory_space<smem>>
      %get3A_54 = arith.constant 1 : index
      %get3A_55 = memref.load %arg4[%get3A_54] : memref<4xf32, #tpu.memory_space<smem>>
      %max3A = arith.maximumf %get3A_55, %reduce_max3A_20 : f32
      %swap3A_56 = arith.constant 1 : index
      %swap3A_57 = memref.load %arg4[%swap3A_56] : memref<4xf32, #tpu.memory_space<smem>>
      memref.store %max3A, %arg4[%swap3A_56] : memref<4xf32, #tpu.memory_space<smem>>
      %get3A_58 = arith.constant 2 : index
      %get3A_59 = memref.load %arg4[%get3A_58] : memref<4xf32, #tpu.memory_space<smem>>
      %min3A_60 = arith.minimumf %get3A_59, %reduce_min3A_28 : f32
      %swap3A_61 = arith.constant 2 : index
      %swap3A_62 = memref.load %arg4[%swap3A_61] : memref<4xf32, #tpu.memory_space<smem>>
      memref.store %min3A_60, %arg4[%swap3A_61] : memref<4xf32, #tpu.memory_space<smem>>
      %get3A_63 = arith.constant 3 : index
      %get3A_64 = memref.load %arg4[%get3A_63] : memref<4xf32, #tpu.memory_space<smem>>
      %max3A_65 = arith.maximumf %get3A_64, %reduce_max3A_38 : f32
      %swap3A_66 = arith.constant 3 : index
      %swap3A_67 = memref.load %arg4[%swap3A_66] : memref<4xf32, #tpu.memory_space<smem>>
      memref.store %max3A_65, %arg4[%swap3A_66] : memref<4xf32, #tpu.memory_space<smem>>
    } else {
    }
    %eq3A_46 = arith.constant 15 : i32
    %eq3A_47 = arith.cmpi eq, %arg0, %eq3A_46 : i32
    %convert_element_type3A_48 = arith.extui %eq3A_47 : i1 to i32
    %cond3A_49 = arith.constant 0 : i32
    %cond3A_50 = arith.cmpi ne, %convert_element_type3A_48, %cond3A_49 : i32
    scf.if %cond3A_50 {
      %get3A_51 = arith.constant 0 : index
      %get3A_52 = memref.load %arg4[%get3A_51] : memref<4xf32, #tpu.memory_space<smem>>
      %swap3A = arith.constant 0 : index
      %swap3A_53 = memref.load %arg3[%swap3A] : memref<4xf32, #tpu.memory_space<smem>>
      memref.store %get3A_52, %arg3[%swap3A] : memref<4xf32, #tpu.memory_space<smem>>
      %get3A_54 = arith.constant 1 : index
      %get3A_55 = memref.load %arg4[%get3A_54] : memref<4xf32, #tpu.memory_space<smem>>
      %swap3A_56 = arith.constant 1 : index
      %swap3A_57 = memref.load %arg3[%swap3A_56] : memref<4xf32, #tpu.memory_space<smem>>
      memref.store %get3A_55, %arg3[%swap3A_56] : memref<4xf32, #tpu.memory_space<smem>>
      %get3A_58 = arith.constant 2 : index
      %get3A_59 = memref.load %arg4[%get3A_58] : memref<4xf32, #tpu.memory_space<smem>>
      %swap3A_60 = arith.constant 2 : index
      %swap3A_61 = memref.load %arg3[%swap3A_60] : memref<4xf32, #tpu.memory_space<smem>>
      memref.store %get3A_59, %arg3[%swap3A_60] : memref<4xf32, #tpu.memory_space<smem>>
      %get3A_62 = arith.constant 3 : index
      %get3A_63 = memref.load %arg4[%get3A_62] : memref<4xf32, #tpu.memory_space<smem>>
      %swap3A_64 = arith.constant 3 : index
      %swap3A_65 = memref.load %arg3[%swap3A_64] : memref<4xf32, #tpu.memory_space<smem>>
      memref.store %get3A_63, %arg3[%swap3A_64] : memref<4xf32, #tpu.memory_space<smem>>
    } else {
    }
    return
  }
  func.func @transform_0(%arg0: i32) -> i32 {
    %c0_i32 = arith.constant 0 : i32
    return %arg0 : i32
  }
  func.func @transform_1(%arg0: i32) -> i32 {
    %c0_i32 = arith.constant 0 : i32
    return %arg0 : i32
  }
  func.func @transform_2(%arg0: i32) -> i32 {
    %c0_i32 = arith.constant 0 : i32
    %c0_i32_0 = arith.constant 0 : i32
    return %c0_i32 : i32
  }
}

</mosaic_0001>

<sc_bundles>
// kernel: kernel.6.cloned.1.call-start
scs
__scs_entry_jumppad:
0x0: {  	(pc) =	sbr.rel $0x88, $3  }
0x1: {  	(tag) =	ssettag $0x0;
	lr =	simm.s32 $0x1  }
0x2: {  	[smem:$0x3F9F] =	sst lr;
	_ =	strace $0xD0000000  }
0x3: {  	_ = 	snop  }
0x4: {  	_ = 	snop  }
0x5: {  	_ = 	snop  }
0x6: {  	_ = 	snop  }
0x7: {  	_ = 	snop  }
__scs_overlays_trampoline_lowered:
0x8: {  	[smem:$0x3FAE] =	sst s0  }
0x9: {  	[smem:$0x3FAF] =	sst s1  }
0xa: {  	[smem:$0x3FB0] =	sst s2  }
0xb: {  	[smem:$0x3FB1] =	sst s3  }
0xc: {  	[smem:$0x3FB2] =	sst s4  }
0xd: {  	[smem:$0x3FB3] =	sst s5  }
0xe: {  	[smem:$0x3FB4] =	sst s6  }
0xf: {  	[smem:$0x3FB5] =	sst s7  }
0x10: {  	[smem:$0x3FB6] =	sst s8  }
0x11: {  	[smem:$0x3FB7] =	sst s9;
	s0 =	simm.s32 @!p0 $0x0  }
0x12: {  	s1 =	sld [smem:$0x3F9D];
	s0 =	simm.s32 @p0 $0x1  }
0x13: {  	[smem:$0x3FB8] =	sst s0;
	s0 =	simm.s32 @!p1 $0x0  }
0x14: {  	s2 =	sld [smem:$0x3F9C];
	s0 =	simm.s32 @p1 $0x1  }
0x15: {  	[smem:$0x3FB9] =	sst s0;
	s0 =	simm.s32 @!p2 $0x0  }
0x16: {  	s3 =	sld [smem:$0x3FDB];
	s0 =	simm.s32 @p2 $0x1  }
0x17: {  	s4 =	simm.s32 $0x1BF5;
	[smem:$0x3FBB] =	sst s0  }
0x18: {  	s0 =	sld [smem:$0x3F9E];
	_ =	swait.ge [sflag:s4], $0x0  }
0x19: {  	s7 =	sld [smem:$0x3F9F]  }
0x1a: {  	s8 =	sadd.s32 $0xFFFFE003, lr  }
0x1b: {  	s9 =	sadd.s32 $0xFFFFFEF7, lr;
	s5 =	simm.s32 $0xFFFFFFFF;
	p2 =	slt.u32 s8, $0xFFFFF086  }
0x1c: {  	p1 =	slt.u32 s9, $0xF7A;
	s5 =	simm.s32 @!p2 $0x0  }
0x1d: {  	s5 =	simm.s32 @p1 $0x1;
	p0 =	seq.s32 s7, s2  }
0x1e: {  	s7 =	smul.u32 @!p0 $0xF7A, s2;
	p2 =	seq.s32 @!p0 s5, $0x0  }
0x1f: {  	s9 =	smul.u32 $0xF7A, s1;
	s8 =	simm.s32 @!p0 $0x1BF5;
	p2 =	por !p2, p0  }
0x20: {  	[sflag:s8] =	ssyncset.s32 @!p0 $0xFFFFF086;
	s6 =	sadd.s32 @!p0 s3, s7;
	s7 =	simm.s32 @!p0 $0x108  }
0x21: {  	s3 =	sadd.s32 s3, s9;
	s6 =	sadd.s32 @!p0 $0x88, s6;
	s7 =	simm.s32 @p2 $0x1082  }
0x22: {  	[simem:s7], [sflag:s8] =	dma.local @!p0 [hbm:s6], $0xF7A  }
0x23: {  	s9 =	sor.u32 $0xD0000000, s2;
	s6 =	simm.s32 $0x108;
	_ =	swait.ge @!p0 [sflag:s8], $0x0  }
0x24: {  	s3 =	sadd.s32 $0x88, s3;
	s6 =	simm.s32 @!p1 $0x1082;
	[sflag:s4] =	ssyncset.s32 $0xFFFFF086  }
0x25: {  	[simem:s6], [sflag:s4] =	dma.local [hbm:s3], $0xF7A  }
0x26: {  	[smem:$0x3F9F] =	sst s1;
	(tag) =	ssettag s2;
	_ =	strace s9  }
0x27: {  	s1 =	sld [smem:$0x3FAF]  }
0x28: {  	s2 =	sld [smem:$0x3FB0]  }
0x29: {  	s4 =	sld [smem:$0x3FB2]  }
0x2a: {  	p0 =	seq.s32 s5, $0x0;
	s5 =	sld [smem:$0x3FB3]  }
0x2b: {  	s6 =	sld [smem:$0x3FB4]  }
0x2c: {  	s7 =	sld [smem:$0x3FB5]  }
0x2d: {  	s3 =	simm.s32 $0x108;
	s8 =	sld [smem:$0x3FB6]  }
0x2e: {  	s3 =	simm.s32 @!p0 $0x1082;
	s9 =	sld [smem:$0x3FB7]  }
0x2f: {  	lr =	sadd.s32 s0, s3;
	s0 =	sld [smem:$0x3FAE]  }
0x30: {  	s3 =	sld [smem:$0x3FB1]  }
0x31: {  	[smem:$0x3FBA] =	sst s10  }
0x32: {  	s10 =	sld [smem:$0x3FB8];
	_ =	sdelay $0x3  }
0x33: {  	p0 =	seq.s32 s10, $0x1;
	s10 =	sld [smem:$0x3FBA];
	_ =	sdelay $0x3  }
0x34: {  	[smem:$0x3FBA] =	sst s10  }
0x35: {  	s10 =	sld [smem:$0x3FB9];
	_ =	sdelay $0x3  }
0x36: {  	p1 =	seq.s32 s10, $0x1;
	s10 =	sld [smem:$0x3FBA];
	_ =	sdelay $0x3  }
0x37: {  	[smem:$0x3FBA] =	sst s10  }
0x38: {  	s10 =	sld [smem:$0x3FBB]  }
0x39: {  	_ = 	snop;
	(pc) =	sbr.ind lr, $3  }
0x3a: {  	_ = 	snop  }
0x3b: {  	_ = 	snop  }
0x3c: {  	p2 =	seq.s32 s10, $0x1;
	s10 =	sld [smem:$0x3FBA]  }
0x3d: {  	_ =	shalt  }
0x3e: {  	_ =	shalt  }
0x3f: {  	_ =	shalt  }
0x40: {  	_ =	shalt  }
0x41: {  	_ =	shalt  }
0x42: {  	_ =	shalt  }
0x43: {  	_ =	shalt  }
0x44: {  	_ =	shalt  }
0x45: {  	_ =	shalt  }
0x46: {  	_ =	shalt  }
0x47: {  	_ =	shalt  }
0x48: {  	_ =	shalt  }
0x49: {  	_ =	shalt  }
0x4a: {  	_ =	shalt  }
0x4b: {  	_ =	shalt  }
0x4c: {  	_ =	shalt  }
0x4d: {  	_ =	shalt  }
0x4e: {  	_ =	shalt  }
0x4f: {  	_ =	shalt  }
0x50: {  	_ =	shalt  }
0x51: {  	_ =	shalt  }
0x52: {  	_ =	shalt  }
0x53: {  	_ =	shalt  }
0x54: {  	_ =	shalt  }
0x55: {  	_ =	shalt  }
0x56: {  	_ =	shalt  }
0x57: {  	_ =	shalt  }
0x58: {  	_ =	shalt  }
0x59: {  	_ =	shalt  }
0x5a: {  	_ =	shalt  }
0x5b: {  	_ =	shalt  }
0x5c: {  	_ =	shalt  }
0x5d: {  	_ =	shalt  }
0x5e: {  	_ =	shalt  }
0x5f: {  	_ =	shalt  }
0x60: {  	_ =	shalt  }
0x61: {  	_ =	shalt  }
0x62: {  	_ =	shalt  }
0x63: {  	_ =	shalt  }
0x64: {  	_ =	shalt  }
0x65: {  	_ =	shalt  }
0x66: {  	_ =	shalt  }
0x67: {  	_ =	shalt  }
0x68: {  	_ =	shalt  }
0x69: {  	_ =	shalt  }
0x6a: {  	_ =	shalt  }
0x6b: {  	_ =	shalt  }
0x6c: {  	_ =	shalt  }
0x6d: {  	_ =	shalt  }
0x6e: {  	_ =	shalt  }
0x6f: {  	_ =	shalt  }
0x70: {  	_ =	shalt  }
0x71: {  	_ =	shalt  }
0x72: {  	_ =	shalt  }
0x73: {  	_ =	shalt  }
0x74: {  	_ =	shalt  }
0x75: {  	_ =	shalt  }
0x76: {  	_ =	shalt  }
0x77: {  	_ =	shalt  }
0x78: {  	_ =	shalt  }
0x79: {  	_ =	shalt  }
0x7a: {  	_ =	shalt  }
0x7b: {  	_ =	shalt  }
0x7c: {  	_ =	shalt  }
0x7d: {  	_ =	shalt  }
0x7e: {  	_ =	shalt  }
0x7f: {  	_ =	shalt  }
0x80: {  	_ =	shalt  }
0x81: {  	_ =	shalt  }
0x82: {  	_ =	shalt  }
0x83: {  	_ =	shalt  }
0x84: {  	_ =	shalt  }
0x85: {  	_ =	shalt  }
0x86: {  	_ =	shalt  }
0x87: {  	_ =	shalt  }
.Lfunc_end0:
.L_simem_size_0:
called_computation_lowered:
.L_overlay_start_0:
0x88: {  	s2 =	sld [smem:$0x3FD9]  }
0x89: {  	s3 =	sld [smem:$0x3FFE];
	_ =	sdelay $0x1  }
0x8a: {  	s1 =	srdreg.scid  }
0x8b: {  	s0 =	sand.u32 $0x1, s1  }
0x8c: {  	s16 =	sshll.u32 s0, $0xA;
	s2 =	sadd.s32 s3, s2  }
0x8d: {  	s2 =	sadd.s32 s2, s16  }
0x8e: {  	[smem:$0x3FC6] =	sst s2  }
0x8f: {  	_ = 	snop  }
0x90: {  	(tm) =	ssettm $0x1  }
0x91: {  	s17 =	sld [smem:$0x3FFB];
	_ =	sdelay $0x3  }
0x92: {  	_ =	strace s17  }
0x93: {  	s2 =	sld [smem:$0x3FFC];
	_ =	sdelay $0x3  }
0x94: {  	_ =	strace s2  }
0x95: {  	s2 =	sld [smem:$0x3FFD];
	_ =	sdelay $0x3  }
0x96: {  	_ =	strace s2  }
0x97: {  	_ =	strace $0x8FFFFFFF  }
0x98: {  	s18 =	sld [smem:$0x3FDB];
	_ =	sdelay $0x1  }
0x99: {  	s19 =	simm.s32 $_scs_section_size  }
0x9a: {  	s4 =	simm.s32 $_size__tile_overlayer_lowered;
	s5 =	simm.s32 $_tile_overlayer_lowered  }
0x9b: {  	s22 =	simm.s32 $0x1BFF;
	s21 =	sshll.u32 s5, $0x1;
	s2 =	sadd.s32 s19, s18  }
0x9c: {  	s6 =	simm.s32 $0x0;
	s20 =	sshll.u32 s4, $0x1;
	s4 =	sadd.s32 s21, s2  }
0x9d: {  	[timem:s6], [sflag:s22] =	dma.local [hbm:s4], s20  }
0x9e: {  	_ =	swait.ge [sflag:s22], s20  }
0x9f: {  	s3 =	ssub.s32 $0x0, s20;
	[sflag:s22] =	ssyncset.done $0x0  }
0xa0: {  	[sflag:s22] =	ssyncadd.s32 s3;
	_ =	sdelay $0x1  }
0xa1: {  	s23 =	simm.s32 $0x1B8B  }
0xa2: {  	_ =	swait.ge [sflag:s23], $0x1  }
0xa3: {  	[sflag:s23] =	ssyncset.done $0x0  }
0xa4: {  	s25 =	simm.s32 $0x1B8E;
	s24 =	sld [smem:$0x3FFE];
	[sflag:s23] =	ssyncadd.s32 $0xFFFFFFFF  }
0xa5: {  	s26 =	simm.s32 $execute0_lowered;
	[smem:$0x3FD2] =	sst s25  }
0xa6: {  	s4 =	sshll.u32 s26, $0x1;
	_ =	strace $0x80000046;
	[dreg:$0x1] =	wrdreg $0xFFFFFFFF  }
0xa7: {  	s28 =	simm.s32 $_size_execute0_lowered;
	s2 =	sadd.s32 s2, s4;
	[dreg:$0x0] =	wrdreg $0x0  }
0xa8: {  	s4 =	sshll.u32 s28, $0x1;
	[dreg:$0x2] =	wrdreg s2  }
0xa9: {  	[dreg:$0x3] =	wrdreg s4  }
0xaa: {  	[dreg:$0x4] =	wrdreg $0xC0  }
0xab: {  	_ =	task [dreg:s6], $0x5FFFF  }
0xac: {  	[dreg:$0x1] =	wrdreg $0xFFFFFFFF  }
0xad: {  	[dreg:$0x0] =	wrdreg $0x60  }
0xae: {  	[dreg:$0x2] =	wrdreg s24  }
0xaf: {  	[dreg:$0x3] =	wrdreg $0x0  }
0xb0: {  	[dreg:$0x4] =	wrdreg $0x9  }
0xb1: {  	_ =	task.clear_ibuf [dreg:s6], $0x5FFFF;
	_ =	strace $0x90000046  }
0xb2: {  	s29 =	simm.s32 $0x9;
	_ =	strace $0x80000048  }
0xb3: {  	_ =	swait.ge [sflag:s29], $0x1  }
0xb4: {  	[sflag:s29] =	ssyncadd.s32 $0xFFFFFFFF  }
0xb5: {  	_ =	strace $0x90000048  }
0xb6: {  	_ =	sfence  }
0xb7: {  	s30 =	sld [smem:$0x0];
	_ =	sdelay $0x2  }
0xb8: {  	s31 =	sshll.u32 s1, $0xD;
	s1 =	sshrl.u32 s1, $0x2  }
0xb9: {  	s3 =	sand.u32 $0x4000, s31;
	s1 =	sadd.s32 s1, s30  }
0xba: {  	s0 =	sor.u32 s3, s0;
	s1 =	sshll.u32 s1, $0x11  }
0xbb: {  	s0 =	sor.u32 s1, s0  }
0xbc: {  	s0 =	sadd.s32 $0x8F2B, s0  }
0xbd: {  	[sflag:s0] =	ssyncadd.remote.s32 $0x1  }
0xbe: {  	_ =	sfence.sel $0xFFFF  }
0xbf: {  	[dreg:$0x0] =	wrdreg $0xFFFFFFFF;
	(pc) =	sbr.abs _section_cstart, $3  }
0xc0: {  	[dreg:$0x1] =	wrdreg $0xFFFFFFFF  }
0xc1: {  	_ =	task.clear_ibuf [dreg:s6], $0x2FFFF;
	_ =	strace $0x9FFFFFFF  }
0xc2: {  	(tm) =	ssettm $0x7FFFFFFF  }
0xc3: {  	_ =	shalt  }
tec
execute0_lowered:
.L_overlay_start_1:
0x0: {  	(tag) =	ssettag $0x1  }
0x1: {  	s0 =	rddreg [dreg:$0x0]  }
0x2: {  	s1 =	rddreg [dreg:$0x1];
	s3 =	simm.s32 $0x0;
	s2 =	srdreg.scid  }
0x3: {  	s11 =	stileid.u32;
	s19 =	simm.s32 $0x3;
	s22 =	simm.s32 $0x1  }
0x4: {  	s23 =	simm.s32 $0x80;
	s24 =	simm.s32 $0x2;
	[smem:$0x7FF] =	sst s3  }
0x5: {  	s2 =	sand.u32 $0x1, s2;
	s17 =	sadd.s32 $0xC00, s0;
	s5 =	smul.u32 $0x7E000, s11  }
0x6: {  	s4 =	sshll.u32 s11, $0xB;
	s0 =	sadd.s32 $0x80C00, s0;
	s16 =	smul.u32 $0x1F800, s11  }
0x7: {  	s11 =	sshll.u32 s11, $0x11;
	s13 =	sshll.u32 s2, $0x15;
	s2 =	ssub.s32 $0x2, s2  }
0x8: {  	_ =	strace $0x80000047;
	s4 =	sor.u32 s4, s13;
	s6 =	sshrl.u32 s2, $0x1  }
0x9: {  	s5 =	sshrl.u32 s5, $0x2;
	s18 =	sor.u32 s11, s13;
	s15 =	sor.u32 s16, s13  }
0xa: {  	s25 =	sadd.s32 s16, s1;
	s4 =	sshrl.u32 s4, $0x3;
	s2 =	ssub.s32 s2, s6  }
0xb: {  	v0 =	vlaneseq.u32;
	s30 =	sshrl.u32 s18, $0x3;
	s15 =	sshrl.u32 s15, $0x3;
	s31 =	sor.u32 $0x100, s18  }
0xc: {  	v1 =	vimm.s32 $0x0;
	v2 =	vmul.u32 $0xFFFFFFFF, v0;
	v3 =	vor.u32 $0x10, v0;
	s18 =	simm.s32 $0x1F800;
	s25 =	sshrl.u32 s25, $0x3;
	s14 =	sadd.s32 s4, s0  }
.Ltmp0:
0xd: {  	v4 =	vor.u32 $0x20, v0;
	v5 =	vor.u32 $0x30, v0;
	v6 =	vor.u32 $0x40, v0;
	s4 =	sadd.s32 s5, s1;
	s15 =	sadd.s32 s0, s15;
	(pc) =	sbr.rel .LBB2_1-.Ltmp0, $4  }
0xe: {  	v7 =	vor.u32 $0x50, v0;
	v8 =	vor.u32 $0x60, v0;
	v9 =	vor.u32 $0x70, v0;
	s16 =	smax.u32 s2, $0x1;
	s0 =	sshrl.u32 s31, $0x3;
	s5 =	sadd.s32 $0x3F000, s14  }
0xf: {  	v10 =	vor.u32 $0x80, v0;
	v11 =	vor.u32 $0x90, v0;
	v12 =	vor.u32 $0xA0, v0;
	s6 =	sadd.s32 $0x3F020, s14;
	s7 =	sadd.s32 $0x3F040, s14;
	s8 =	sadd.s32 $0x3F060, s14  }
0x10: {  	v13 =	vor.u32 $0xB0, v0;
	v14 =	vor.u32 $0xC0, v0;
	v15 =	vor.u32 $0xD0, v0;
	s9 =	sadd.s32 $0x3F080, s14;
	s10 =	sadd.s32 $0x3F0A0, s14;
	s12 =	sadd.s32 $0x3F0C0, s14  }
0x11: {  	v16 =	vor.u32 $0xE0, v0;
	v17 =	vor.u32 $0xF0, v0;
	v2 =	vadd.s32 $0x1E847C, v2;
	s13 =	sadd.s32 $0x3F0E0, s14;
	s14 =	sadd.s32 s17, s30;
	s17 =	sadd.s32 s0, s17  }
.LBB2_7:
0x12: {  	_ =	swait.ge [sflag:s24], $0x80  }
0x13: {  	[sflag:s24] =	ssyncset.done $0x0  }
0x14: {  	[sflag:s24] =	ssyncadd.s32 $0xFFFFFF80  }
0x15: {  	_ =	swait.ge [sflag:s24], $0x80  }
0x16: {  	[sflag:s24] =	ssyncset.done $0x0  }
0x17: {  	[sflag:s24] =	ssyncadd.s32 $0xFFFFFF80  }
0x18: {  	_ =	swait.ge [sflag:s24], $0x80  }
0x19: {  	[sflag:s24] =	ssyncset.done $0x0  }
0x1a: {  	[sflag:s24] =	ssyncadd.s32 $0xFFFFFF80  }
0x1b: {  	_ =	swait.ge [sflag:s24], $0x80  }
0x1c: {  	s0 =	stileid.u32;
	s3 =	sadd.s32 $0x1, s3;
	[sflag:s24] =	ssyncset.done $0x0  }
0x1d: {  	s0 =	sshll.u32 s0, $0x6;
	p0 =	sne.s32 s3, s16;
	[sflag:s24] =	ssyncadd.s32 $0xFFFFFF80  }
.Ltmp1:
0x1e: {  	s0 =	sor.u32 $0x1C03, s0;
	[bflag:$0x0] =	sbarrier.arrive $0xFFFF;
	(pc) =	sbr.rel @!p0 .LBB2_8-.Ltmp1, $4  }
0x1f: {  	[hbm:s15], [sflag:s0] =	dma.local [spmem:s25], $0x3F00  }
0x20: {  	_ =	swait.ge [sflag:s19], $0x3F00  }
0x21: {  	[sflag:s19] =	ssyncset.done $0x0  }
0x22: {  	[sflag:s19] =	ssyncadd.s32 $0xFFFFC100  }
.LBB2_1:
0x23: {  	[tilespmem:$0x1F800] =	vst v1  }
0x24: {  	[tilespmem:$0x1F810] =	vst v1  }
0x25: {  	[tilespmem:$0x1F820] =	vst v1  }
0x26: {  	[tilespmem:$0x1F830] =	vst v1  }
0x27: {  	[tilespmem:$0x1F840] =	vst v1  }
0x28: {  	[tilespmem:$0x1F850] =	vst v1  }
0x29: {  	[tilespmem:$0x1F860] =	vst v1  }
0x2a: {  	[tilespmem:$0x1F870] =	vst v1  }
0x2b: {  	[tilespmem:$0x1F880] =	vst v1  }
0x2c: {  	[tilespmem:$0x1F890] =	vst v1  }
0x2d: {  	[tilespmem:$0x1F8A0] =	vst v1  }
0x2e: {  	[tilespmem:$0x1F8B0] =	vst v1  }
0x2f: {  	[tilespmem:$0x1F8C0] =	vst v1  }
0x30: {  	[tilespmem:$0x1F8D0] =	vst v1  }
0x31: {  	[tilespmem:$0x1F8E0] =	vst v1  }
0x32: {  	[tilespmem:$0x1F8F0] =	vst v1;
	s0 =	sadd.s32 $0x0, s4  }
0x33: {  	[spmem:s0] =	stream.linear.scatter [tilespmem:s18], [sflag:$0x3], $0x100, $0x38;
	[tilespmem:$0x1FF00] =	vst v63  }
0x34: {  	s0 =	simm.s32 $0x400;
	_ =	swait.ge [sflag:s19], $0x100  }
.LBB2_2:
0x35: {  	s2 =	sshra.s32 s0, $0x2;
	[sflag:s19] =	ssyncset.done $0x0;
	p0 =	sne.s32 s0, $0x7DC00  }
.Ltmp2:
0x36: {  	s2 =	sadd.s32 s2, s4;
	[sflag:s19] =	ssyncadd.s32 $0xFFFFFF00;
	(pc) =	sbr.rel @p0 .LBB2_2-.Ltmp2, $3  }
0x37: {  	[spmem:s2] =	stream.linear.scatter [tilespmem:s18], [sflag:$0x3], $0x100, $0x38;
	[tilespmem:$0x1FF00] =	vst v63  }
0x38: {  	s0 =	sadd.s32 $0x400, s0;
	_ =	sdelay $0x1  }
0x39: {  	_ =	swait.ge [sflag:s19], $0x100  }
0x3a: {  	[sflag:s19] =	ssyncset.done $0x0  }
0x3b: {  	s26 =	simm.s32 $0x0;
	[sflag:s19] =	ssyncadd.s32 $0xFFFFFF00  }
0x3c: {  	[hbm4b:s5+s26] =	stream.linear.scatter [tilespmem:s18], [sflag:$0x3], $0x100, $0x38;
	[tilespmem:$0x1FF00] =	vst v63  }
0x3d: {  	_ =	swait.ge [sflag:s19], $0x100  }
0x3e: {  	[sflag:s19] =	ssyncset.done $0x0  }
0x3f: {  	[sflag:s19] =	ssyncadd.s32 $0xFFFFFF00  }
0x40: {  	[hbm4b:s6+s26] =	stream.linear.scatter [tilespmem:s18], [sflag:$0x3], $0x100, $0x38;
	[tilespmem:$0x1FF00] =	vst v63  }
0x41: {  	_ =	swait.ge [sflag:s19], $0x100  }
0x42: {  	[sflag:s19] =	ssyncset.done $0x0  }
0x43: {  	[sflag:s19] =	ssyncadd.s32 $0xFFFFFF00  }
0x44: {  	[hbm4b:s7+s26] =	stream.linear.scatter [tilespmem:s18], [sflag:$0x3], $0x100, $0x38;
	[tilespmem:$0x1FF00] =	vst v63  }
0x45: {  	_ =	swait.ge [sflag:s19], $0x100  }
0x46: {  	[sflag:s19] =	ssyncset.done $0x0  }
0x47: {  	[sflag:s19] =	ssyncadd.s32 $0xFFFFFF00  }
0x48: {  	[hbm4b:s8+s26] =	stream.linear.scatter [tilespmem:s18], [sflag:$0x3], $0x100, $0x38;
	[tilespmem:$0x1FF00] =	vst v63  }
0x49: {  	_ =	swait.ge [sflag:s19], $0x100  }
0x4a: {  	[sflag:s19] =	ssyncset.done $0x0  }
0x4b: {  	[sflag:s19] =	ssyncadd.s32 $0xFFFFFF00  }
0x4c: {  	[hbm4b:s9+s26] =	stream.linear.scatter [tilespmem:s18], [sflag:$0x3], $0x100, $0x38;
	[tilespmem:$0x1FF00] =	vst v63  }
0x4d: {  	_ =	swait.ge [sflag:s19], $0x100  }
0x4e: {  	[sflag:s19] =	ssyncset.done $0x0  }
0x4f: {  	[sflag:s19] =	ssyncadd.s32 $0xFFFFFF00  }
0x50: {  	[hbm4b:s10+s26] =	stream.linear.scatter [tilespmem:s18], [sflag:$0x3], $0x100, $0x38;
	[tilespmem:$0x1FF00] =	vst v63  }
0x51: {  	_ =	swait.ge [sflag:s19], $0x100  }
0x52: {  	[sflag:s19] =	ssyncset.done $0x0  }
0x53: {  	[sflag:s19] =	ssyncadd.s32 $0xFFFFFF00  }
0x54: {  	[hbm4b:s12+s26] =	stream.linear.scatter [tilespmem:s18], [sflag:$0x3], $0x100, $0x38;
	[tilespmem:$0x1FF00] =	vst v63  }
0x55: {  	_ =	swait.ge [sflag:s19], $0x100  }
0x56: {  	[sflag:s19] =	ssyncset.done $0x0  }
0x57: {  	[sflag:s19] =	ssyncadd.s32 $0xFFFFFF00  }
0x58: {  	[hbm4b:s13+s26] =	stream.linear.scatter [tilespmem:s18], [sflag:$0x3], $0x100, $0x38;
	[tilespmem:$0x1FF00] =	vst v63  }
0x59: {  	_ =	swait.ge [sflag:s19], $0x100  }
0x5a: {  	[sflag:s19] =	ssyncset.done $0x0  }
.Ltmp3:
0x5b: {  	s0 =	simm.s32 $0x1F900;
	[sflag:s19] =	ssyncadd.s32 $0xFFFFFF00;
	(pc) =	sbr.rel .LBB2_4-.Ltmp3, $4  }
0x5c: {  	s31 =	sadd.s32 $0x10, s14;
	s2 =	simm.s32 $0x1FA00;
	[bflag:$0x0] =	sbarrier.arrive $0xFFFF  }
0x5d: {  	[tilespmem:s0], [sflag:$0x1] =	stream.linear.gather [hbm4b:s14+s26], $0x80, $0x38;
	[tilespmem:$0x1FF00] =	vst v63  }
0x5e: {  	s28 =	smov.u32 s17;
	s29 =	simm.s32 $0x0;
	s30 =	simm.s32 $0x0  }
0x5f: {  	[tilespmem:s2], [sflag:$0x1] =	stream.linear.gather [hbm4b:s31+s26], $0x80, $0x38;
	[tilespmem:$0x1FF00] =	vst v63  }
.LBB2_6:
0x60: {  	v18 =	vld [tilespmem:s31+$0x1F900];
	_ =	sdelay $0x2  }
0x61: {  	s2 =	sadd.s32 s26, s11  }
0x62: {  	v19 =	vmov s2  }
0x63: {  	vm0 =	vlt.u32 v19, v2;
	vm1 =	vlt.s32 v18, $0x1F8000  }
0x64: {  	vm0 =	vmand vm0, vm1  }
0x65: {  	s0 =	sand.u32 $0x100, s26;
	v18 =	vsel vm0, v18, v0  }
0x66: {  	[tilespmem:s0+$0x1FB00] =	vst v18;
	v18 =	vsel vm0, $0x1, v1  }
0x67: {  	[tilespmem:s0+$0x1FD00] =	vst v18  }
0x68: {  	v18 =	vld [tilespmem:s31+$0x1F910];
	_ =	sdelay $0x2  }
0x69: {  	s20 =	sadd.s32 $0x10, s2  }
0x6a: {  	v19 =	vmov s20  }
0x6b: {  	vm10 =	vlt.u32 v19, v2;
	vm11 =	vlt.s32 v18, $0x1F8000  }
0x6c: {  	vm0 =	vmand vm10, vm11  }
0x6d: {  	v18 =	vsel vm0, v18, v3  }
0x6e: {  	[tilespmem:s0+$0x1FB10] =	vst v18;
	v18 =	vsel vm0, $0x1, v1  }
0x6f: {  	[tilespmem:s0+$0x1FD10] =	vst v18  }
0x70: {  	v18 =	vld [tilespmem:s31+$0x1F920];
	_ =	sdelay $0x2  }
0x71: {  	s21 =	sadd.s32 $0x20, s2  }
0x72: {  	v19 =	vmov s21  }
0x73: {  	vm12 =	vlt.u32 v19, v2;
	vm13 =	vlt.s32 v18, $0x1F8000  }
0x74: {  	vm0 =	vmand vm12, vm13  }
0x75: {  	v18 =	vsel vm0, v18, v4  }
0x76: {  	[tilespmem:s0+$0x1FB20] =	vst v18;
	v18 =	vsel vm0, $0x1, v1  }
0x77: {  	[tilespmem:s0+$0x1FD20] =	vst v18  }
0x78: {  	v18 =	vld [tilespmem:s31+$0x1F930];
	_ =	sdelay $0x2  }
0x79: {  	s21 =	sadd.s32 $0x30, s2  }
0x7a: {  	v19 =	vmov s21  }
0x7b: {  	vm14 =	vlt.u32 v19, v2;
	vm15 =	vlt.s32 v18, $0x1F8000  }
0x7c: {  	vm0 =	vmand vm14, vm15  }
0x7d: {  	v18 =	vsel vm0, v18, v5  }
0x7e: {  	[tilespmem:s0+$0x1FB30] =	vst v18;
	v18 =	vsel vm0, $0x1, v1  }
0x7f: {  	[tilespmem:s0+$0x1FD30] =	vst v18  }
0x80: {  	v18 =	vld [tilespmem:s31+$0x1F940];
	_ =	sdelay $0x2  }
0x81: {  	s21 =	sadd.s32 $0x40, s2  }
0x82: {  	v19 =	vmov s21  }
0x83: {  	vm4 =	vlt.u32 v19, v2;
	vm5 =	vlt.s32 v18, $0x1F8000  }
0x84: {  	vm0 =	vmand vm4, vm5  }
0x85: {  	v18 =	vsel vm0, v18, v6  }
0x86: {  	[tilespmem:s0+$0x1FB40] =	vst v18;
	v18 =	vsel vm0, $0x1, v1  }
0x87: {  	[tilespmem:s0+$0x1FD40] =	vst v18  }
0x88: {  	v18 =	vld [tilespmem:s31+$0x1F950];
	_ =	sdelay $0x2  }
0x89: {  	s21 =	sadd.s32 $0x50, s2  }
0x8a: {  	v19 =	vmov s21  }
0x8b: {  	vm6 =	vlt.u32 v19, v2;
	vm7 =	vlt.s32 v18, $0x1F8000  }
0x8c: {  	vm0 =	vmand vm6, vm7  }
0x8d: {  	v18 =	vsel vm0, v18, v7  }
0x8e: {  	[tilespmem:s0+$0x1FB50] =	vst v18;
	v18 =	vsel vm0, $0x1, v1  }
0x8f: {  	[tilespmem:s0+$0x1FD50] =	vst v18  }
0x90: {  	v18 =	vld [tilespmem:s31+$0x1F960];
	_ =	sdelay $0x2  }
0x91: {  	s21 =	sadd.s32 $0x60, s2  }
0x92: {  	v19 =	vmov s21  }
0x93: {  	vm8 =	vlt.u32 v19, v2;
	vm9 =	vlt.s32 v18, $0x1F8000  }
0x94: {  	vm0 =	vmand vm8, vm9  }
0x95: {  	v18 =	vsel vm0, v18, v8  }
0x96: {  	[tilespmem:s0+$0x1FB60] =	vst v18;
	v18 =	vsel vm0, $0x1, v1  }
0x97: {  	[tilespmem:s0+$0x1FD60] =	vst v18  }
0x98: {  	v18 =	vld [tilespmem:s31+$0x1F970];
	_ =	sdelay $0x2  }
0x99: {  	s21 =	sadd.s32 $0x70, s2  }
0x9a: {  	v19 =	vmov s21  }
0x9b: {  	vm10 =	vlt.u32 v19, v2;
	vm11 =	vlt.s32 v18, $0x1F8000  }
0x9c: {  	vm0 =	vmand vm10, vm11  }
0x9d: {  	v18 =	vsel vm0, v18, v9  }
0x9e: {  	[tilespmem:s0+$0x1FB70] =	vst v18;
	v18 =	vsel vm0, $0x1, v1  }
0x9f: {  	s20 =	sadd.s32 $0x1FB00, s0;
	s21 =	sadd.s32 $0x1FD00, s0;
	[tilespmem:s0+$0x1FD70] =	vst v18  }
0xa0: {  	[spmem:s1] =	stream.indirect.scatter.add.s32 [tilespmem:s21], [sflag:$0x2], $0x1, s20, s23, $0xb8;
	[tilespmem:$0x1FF00] =	vst v63  }
0xa1: {  	v18 =	vld [tilespmem:s31+$0x1FA00];
	_ =	sdelay $0x2  }
0xa2: {  	s21 =	sadd.s32 $0x80, s2  }
0xa3: {  	v19 =	vmov s21  }
0xa4: {  	vm12 =	vlt.u32 v19, v2;
	vm13 =	vlt.s32 v18, $0x1F8000  }
0xa5: {  	vm0 =	vmand vm12, vm13  }
0xa6: {  	v18 =	vsel vm0, v18, v10  }
0xa7: {  	[tilespmem:s0+$0x1FB80] =	vst v18;
	v18 =	vsel vm0, $0x1, v1  }
0xa8: {  	[tilespmem:s0+$0x1FD80] =	vst v18  }
0xa9: {  	v18 =	vld [tilespmem:s31+$0x1FA10];
	_ =	sdelay $0x2  }
0xaa: {  	s21 =	sadd.s32 $0x90, s2  }
0xab: {  	v19 =	vmov s21  }
0xac: {  	vm14 =	vlt.u32 v19, v2;
	vm15 =	vlt.s32 v18, $0x1F8000  }
0xad: {  	vm0 =	vmand vm14, vm15  }
0xae: {  	v18 =	vsel vm0, v18, v11  }
0xaf: {  	[tilespmem:s0+$0x1FB90] =	vst v18;
	v18 =	vsel vm0, $0x1, v1  }
0xb0: {  	[tilespmem:s0+$0x1FD90] =	vst v18  }
0xb1: {  	v18 =	vld [tilespmem:s31+$0x1FA20];
	_ =	sdelay $0x2  }
0xb2: {  	s21 =	sadd.s32 $0xA0, s2  }
0xb3: {  	v19 =	vmov s21  }
0xb4: {  	vm4 =	vlt.u32 v19, v2;
	vm5 =	vlt.s32 v18, $0x1F8000  }
0xb5: {  	vm0 =	vmand vm4, vm5  }
0xb6: {  	v18 =	vsel vm0, v18, v12  }
0xb7: {  	[tilespmem:s0+$0x1FBA0] =	vst v18;
	v18 =	vsel vm0, $0x1, v1  }
0xb8: {  	[tilespmem:s0+$0x1FDA0] =	vst v18  }
0xb9: {  	v18 =	vld [tilespmem:s31+$0x1FA30];
	_ =	sdelay $0x2  }
0xba: {  	s21 =	sadd.s32 $0xB0, s2  }
0xbb: {  	v19 =	vmov s21  }
0xbc: {  	vm6 =	vlt.u32 v19, v2;
	vm7 =	vlt.s32 v18, $0x1F8000  }
0xbd: {  	vm0 =	vmand vm6, vm7  }
0xbe: {  	v18 =	vsel vm0, v18, v13  }
0xbf: {  	[tilespmem:s0+$0x1FBB0] =	vst v18;
	v18 =	vsel vm0, $0x1, v1  }
0xc0: {  	[tilespmem:s0+$0x1FDB0] =	vst v18  }
0xc1: {  	v18 =	vld [tilespmem:s31+$0x1FA40];
	_ =	sdelay $0x2  }
0xc2: {  	s21 =	sadd.s32 $0xC0, s2  }
0xc3: {  	v19 =	vmov s21  }
0xc4: {  	vm8 =	vlt.u32 v19, v2;
	vm9 =	vlt.s32 v18, $0x1F8000  }
0xc5: {  	vm0 =	vmand vm8, vm9  }
0xc6: {  	v18 =	vsel vm0, v18, v14  }
0xc7: {  	[tilespmem:s0+$0x1FBC0] =	vst v18;
	v18 =	vsel vm0, $0x1, v1  }
0xc8: {  	[tilespmem:s0+$0x1FDC0] =	vst v18  }
0xc9: {  	v18 =	vld [tilespmem:s31+$0x1FA50];
	_ =	sdelay $0x2  }
0xca: {  	s21 =	sadd.s32 $0xD0, s2  }
0xcb: {  	v19 =	vmov s21  }
0xcc: {  	vm10 =	vlt.u32 v19, v2;
	vm11 =	vlt.s32 v18, $0x1F8000  }
0xcd: {  	vm0 =	vmand vm10, vm11  }
0xce: {  	v18 =	vsel vm0, v18, v15  }
0xcf: {  	[tilespmem:s0+$0x1FBD0] =	vst v18;
	v18 =	vsel vm0, $0x1, v1  }
0xd0: {  	[tilespmem:s0+$0x1FDD0] =	vst v18  }
0xd1: {  	v18 =	vld [tilespmem:s31+$0x1FA60];
	_ =	sdelay $0x2  }
0xd2: {  	s21 =	sadd.s32 $0xE0, s2  }
0xd3: {  	v19 =	vmov s21  }
0xd4: {  	vm12 =	vlt.u32 v19, v2;
	vm13 =	vlt.s32 v18, $0x1F8000  }
0xd5: {  	vm0 =	vmand vm12, vm13  }
0xd6: {  	v18 =	vsel vm0, v18, v16  }
0xd7: {  	[tilespmem:s0+$0x1FBE0] =	vst v18;
	v18 =	vsel vm0, $0x1, v1  }
0xd8: {  	[tilespmem:s0+$0x1FDE0] =	vst v18  }
0xd9: {  	v18 =	vld [tilespmem:s31+$0x1FA70];
	_ =	sdelay $0x2  }
0xda: {  	s2 =	sadd.s32 $0xF0, s2  }
0xdb: {  	s26 =	sadd.s32 $0x100, s26;
	v19 =	vmov s2  }
0xdc: {  	p0 =	sne.s32 s26, $0x20000;
	vm14 =	vlt.u32 v19, v2;
	vm15 =	vlt.s32 v18, $0x1F8000  }
.Ltmp4:
0xdd: {  	vm0 =	vmand vm14, vm15;
	(pc) =	sbr.rel @!p0 .LBB2_7-.Ltmp4, $4  }
0xde: {  	v18 =	vsel vm0, v18, v17  }
0xdf: {  	s30 =	sadd.s32 $0x1, s30;
	s29 =	sadd.s32 $0x80, s29;
	[tilespmem:s0+$0x1FBF0] =	vst v18;
	v18 =	vsel vm0, $0x1, v1  }
0xe0: {  	s28 =	sadd.s32 $0x20, s28;
	s21 =	sadd.s32 $0x1FB80, s0;
	s31 =	sadd.s32 $0x1FD80, s0;
	[tilespmem:s0+$0x1FDF0] =	vst v18  }
0xe1: {  	[spmem:s1] =	stream.indirect.scatter.add.s32 [tilespmem:s31], [sflag:$0x2], $0x1, s21, s23, $0xb8;
	[tilespmem:$0x1FF00] =	vst v63  }
.LBB2_4:
0xe2: {  	p0 =	seq.s32 s26, $0x1FF00  }
0xe3: {  	p1 =	slt.u32 @!p0 s30, $0x2  }
0xe4: {  	_ =	swait.ge [sflag:s22], $0x100;
	s31 =	sand.u32 @!p0 $0x80, s29;
	p1 =	por p0, !p1  }
.Ltmp5:
0xe5: {  	[sflag:s22] =	ssyncset.done $0x0;
	s0 =	sxor.u32 @!p0 $0x80, s31;
	(pc) =	sbr.rel @!p1 .LBB2_6-.Ltmp5, $4  }
0xe6: {  	s20 =	simm.s32 @!p0 $0x0;
	[sflag:s22] =	ssyncadd.s32 $0xFFFFFF00;
	s2 =	sor.u32 @!p0 $0x1F900, s0  }
0xe7: {  	[tilespmem:s2], [sflag:$0x1] =	stream.linear.gather @!p0 [hbm4b:s28+s20], $0x80, $0x38;
	[tilespmem:$0x1FF00] =	vst v63  }
0xe8: {  	s0 =	sor.u32 @!p0 $0x1FA00, s0;
	s2 =	sadd.s32 @!p0 $0x10, s28  }
0xe9: {  	[tilespmem:s0], [sflag:$0x1] =	stream.linear.gather @!p0 [hbm4b:s2+s20], $0x80, $0x38;
	[tilespmem:$0x1FF00] =	vst v63  }
0xea: {  	_ =	swait.ge [sflag:s24], $0x80  }
.Ltmp6:
0xeb: {  	[sflag:s24] =	ssyncset.done $0x0;
	(pc) =	sbr.rel .LBB2_6-.Ltmp6, $4  }
0xec: {  	[sflag:s24] =	ssyncadd.s32 $0xFFFFFF80  }
0xed: {  	_ =	swait.ge [sflag:s24], $0x80  }
0xee: {  	[sflag:s24] =	ssyncset.done $0x0  }
0xef: {  	s31 =	simm.s32 @p0 $0x80;
	[sflag:s24] =	ssyncadd.s32 $0xFFFFFF80  }
.LBB2_8:
0xf0: {  	_ =	sfence.sel $0x180000  }
0xf1: {  	[bflag:$0x0] =	sbarrier.arrive $0xFFFF  }
0xf2: {  	_ =	strace $0x90000047  }
0xf3: {  	s0 =	stileid.u32;
	[bflag:$0x2] =	sbarrier.arrive $0xFFFF  }
0xf4: {  	p0 =	sne.s32 s0, $0x0;
	s0 =	rddreg [dreg:$0x2]  }
0xf5: {  	s0 =	sadd.s32 @!p0 $0x100000, s0  }
0xf6: {  	[sflag:s0] =	ssyncadd.tile.s32 @!p0 $0x1;
	_ =	shalt  }
.Lfunc_end2:
_tile_overlayer_lowered:
.L_overlay_start_2:
0xf7: {  	(tag) =	ssettag $0x2  }
0xf8: {  	s0 =	rddreg [dreg:$0x0];
	s2 =	stileid.u32  }
0xf9: {  	s1 =	rddreg [dreg:$0x1];
	p0 =	sne.s32 s2, $0x0  }
0xfa: {  	s3 =	rddreg [dreg:$0x2];
	[bflag:$0x3] =	sbarrier.arrive $0xFFFF;
	s2 =	simm.s32 @!p0 $0x1C03  }
0xfb: {  	[timem:s3], [sflag:s2] =	dma.local @!p0 [hbm:s0], s1  }
0xfc: {  	s0 =	simm.s32 @!p0 $0x3  }
0xfd: {  	_ =	swait.ge @!p0 [sflag:s0], s1  }
0xfe: {  	s1 =	ssub.s32 @!p0 $0x0, s1;
	[sflag:s0] =	ssyncset.done @!p0 $0x0  }
0xff: {  	[sflag:s0] =	ssyncadd.s32 @!p0 s1  }
0x100: {  	[bflag:$0x3] =	sbarrier.arrive $0xFFFF  }
0x101: {  	_ =	shalt  }

</sc_bundles>
